<compile_context>
chip_gen: v7x
topology: tpu7x:2x2x1
jax: 0.10.2.dev20260603
libtpu: 0.0.44.dev20260713+nightly
codegen_flags: <defaults>
</compile_context>

<pallas_src>
import functools

import jax
import jax.numpy as jnp
from jax import lax
from jax.experimental import pallas as pl
from jax.experimental.pallas import tpu as pltpu
from jax.experimental.pallas import tpu_sc as plsc

_R = 2048
_H = 2048
_NW = 64
_NCHARS = 1000
_P = 32
_CHUNK = 128



def _peq_body(ref_hbm, zeros_hbm, peq_hbm, local, refv, sem):
    wid = lax.axis_index("s") * 2 + lax.axis_index("c")
    r = wid
    iota16 = lax.iota(jnp.int32, 16)

    @pl.when(r < 8)
    def _():
        pltpu.sync_copy(zeros_hbm, local)
        pltpu.sync_copy(ref_hbm.at[pl.ds(r * _R, _R)], refv)

        def obody(i, _):
            o = i % 32
            kk = i // 32
            rowpos = (iota16 + kk * 16) * 32 + o
            chars = plsc.load_gather(refv, [rowpos])
            bit = jnp.full((16,), 1, jnp.int32) << o
            plsc.addupdate_scatter(local, [chars, iota16 + kk * 16], bit)
            return 0

        lax.fori_loop(0, 128, obody, 0)
        pltpu.sync_copy(local, peq_hbm.at[pl.ds(r * _NCHARS, _NCHARS)])


def _build_peq_sc(ref_flat):
    mesh = plsc.VectorSubcoreMesh(core_axis_name="c", subcore_axis_name="s")
    zeros = jnp.zeros((_NCHARS, _NW), jnp.int32)
    fn = functools.partial(
        pl.kernel,
        mesh=mesh,
        out_type=jax.ShapeDtypeStruct((8 * _NCHARS, _NW), jnp.int32),
        compiler_params=pltpu.CompilerParams(needs_layout_passes=False, use_tc_tiling_on_sc=False),
        scratch_types=[
            pltpu.VMEM((_NCHARS, _NW), jnp.int32),
            pltpu.VMEM((_R,), jnp.int32),
            pltpu.SemaphoreType.DMA,
        ],
    )(_peq_body)
    return fn(ref_flat, zeros)



def _gather_body(peq_hbm, hyp_hbm, eq_hbm, hypv, idxv, rows, sem):
    wid = lax.axis_index("s") * 2 + lax.axis_index("c")
    p = wid
    base = (p // 4) * _NCHARS

    def cbody(c, _):
        pltpu.sync_copy(hyp_hbm.at[pl.ds(p * _H + c * _CHUNK, _CHUNK)], hypv)

        def abody(k, _):
            v = hypv[pl.ds(k * 16, 16)]
            idxv[pl.ds(k * 16, 16)] = v + base
            return 0

        lax.fori_loop(0, _CHUNK // 16, abody, 0)
        pltpu.async_copy(peq_hbm.at[idxv], rows, sem).wait()
        pltpu.sync_copy(rows, eq_hbm.at[p, pl.ds(c * _CHUNK, _CHUNK)])
        return 0

    lax.fori_loop(0, _H // _CHUNK, cbody, 0)


def _gather_eq_sc(peq, hyp_flat):
    mesh = plsc.VectorSubcoreMesh(core_axis_name="c", subcore_axis_name="s")
    fn = functools.partial(
        pl.kernel,
        mesh=mesh,
        out_type=jax.ShapeDtypeStruct((_P, _H, _NW), jnp.int32),
        compiler_params=pltpu.CompilerParams(needs_layout_passes=False, use_tc_tiling_on_sc=False),
        scratch_types=[
            pltpu.VMEM((_CHUNK,), jnp.int32),
            pltpu.VMEM((_CHUNK,), jnp.int32),
            pltpu.VMEM((_CHUNK, _NW), jnp.int32),
            pltpu.SemaphoreType.DMA,
        ],
    )(_gather_body)
    return fn(peq, hyp_flat)



def _shr_words(x, k, mask):
    sh = jnp.concatenate(
        [jnp.zeros((16, k), x.dtype), x[:, : 128 - k]], axis=1
    )
    return sh & mask


def _popcount(x):
    x = x - ((x >> 1) & 0x55555555)
    x = (x & 0x33333333) + ((x >> 2) & 0x33333333)
    x = (x + (x >> 4)) & 0x0F0F0F0F
    return (x * 0x01010101) >> 24


def _pack_lens(x):
    return jnp.concatenate(
        [jnp.broadcast_to(x[:16], (16, 64)),
         jnp.broadcast_to(x[16:], (16, 64))], axis=1)


def _myers_kernel(eq_ref, ref2_ref, hyp2_ref, er_ref, vp_ref, vn_ref,
                  rl_ref, hl_ref):
    pid = pl.program_id(0)
    nsteps = pl.num_programs(0)

    @pl.when(pid == 0)
    def _init():
        col = lax.broadcasted_iota(jnp.int32, (_P, _R), 1)
        ref2 = ref2_ref[...]
        hyp2 = hyp2_ref[...]
        rl_ref[...] = jnp.min(jnp.where(ref2 == 0, col, _R), axis=1,
                              keepdims=True)
        hl_ref[...] = jnp.min(jnp.where(hyp2 == 0, col, _H), axis=1,
                              keepdims=True)
        vp_ref[...] = jnp.full((16, 128), -1, jnp.int32)
        vn_ref[...] = jnp.zeros((16, 128), jnp.int32)

    hlp = _pack_lens(hl_ref[...])
    lane = lax.broadcasted_iota(jnp.int32, (16, 128), 1)
    wq = lane & 63
    masks = {k: jnp.where(wq >= k, -1, 0)
             for k in (1, 2, 3, 4, 5, 6, 7, 8, 9, 16, 24, 32, 40, 48, 56)}
    one0 = jnp.where(wq == 0, 1, 0)

    def _scan8(rg, rp):
        pp = rp[0]
        c1 = rg[0] | (pp & rg[1])
        for k in range(2, 8):
            pp = pp & rp[k - 1]
            c1 = c1 | (pp & rg[k])
        q1 = pp & rp[7]
        return c1, q1

    def _scan64(c1, q1):
        rc = [_shr_words(c1, 8 * m, masks[8 * m]) for m in range(1, 8)]
        rq = [_shr_words(q1, 8 * m, masks[8 * m]) for m in range(1, 7)]
        Q = q1
        cin = c1 | (Q & rc[0])
        for m in range(2, 8):
            Q = Q & rq[m - 2]
            cin = cin | (Q & rc[m - 1])
        return cin

    def _step(eq, vp, vn, active):
        xv = eq | vn
        t1 = eq & vp
        s0 = t1 + vp
        g = ((t1 | (vp & ~s0)) >> 31) & 1
        pr = (s0 == -1).astype(jnp.int32)
        rg = [_shr_words(g, k, masks[k]) for k in range(1, 10)]
        rp = [_shr_words(pr, k, masks[k]) for k in range(1, 10)]
        s0p = _shr_words(s0, 1, masks[1])
        vpp = _shr_words(vp, 1, masks[1])
        vnp = _shr_words(vn, 1, masks[1])
        eqp = _shr_words(eq, 1, masks[1])
        c1, q1 = _scan8(rg[:8], rp[:8])
        c1p, q1p = _scan8(rg[1:9], rp[1:9])
        cin = _scan64(c1, q1)
        cinp = _scan64(c1p, q1p)
        ssum = s0 + cin
        xh = (ssum ^ vp) | eq
        ph = vn | ~(xh | vp)
        mh = vp & xh
        ssump = s0p + cinp
        xhp = (ssump ^ vpp) | eqp
        php = vnp | ~(xhp | vpp)
        mhp = vpp & xhp
        ph_s = (ph << 1) | ((php >> 31) & 1) | one0
        mh_s = (mh << 1) | ((mhp >> 31) & 1)
        vp_new = mh_s | ~(xv | ph_s)
        vn_new = ph_s & xv
        vp = jnp.where(active, vp_new, vp)
        vn = jnp.where(active, vn_new, vn)
        return vp, vn

    def body(tl, carry):
        vp, vn = carry
        t = pid * 128 + tl + 1
        eq = eq_ref[tl]
        return _step(eq, vp, vn, t <= hlp)

    vp, vn = lax.fori_loop(0, 128, body, (vp_ref[...], vn_ref[...]))
    vp_ref[...] = vp
    vn_ref[...] = vn

    @pl.when(pid == nsteps - 1)
    def _extract():
        ref_lens = rl_ref[...]
        hl = hl_ref[...]
        rlp = _pack_lens(ref_lens)
        fw = jnp.clip(rlp - wq * 32, 0, 32)
        fw_c = jnp.minimum(fw, 31)
        mask = jnp.where(fw >= 32, -1, (1 << fw_c) - 1)
        pc = _popcount(vp_ref[...] & mask) - _popcount(vn_ref[...] & mask)
        sc = jnp.concatenate(
            [jnp.sum(pc[:, :64], axis=1, keepdims=True),
             jnp.sum(pc[:, 64:], axis=1, keepdims=True)], axis=0)
        dist = (hl + sc).astype(jnp.float32)
        er = jnp.where(
            ref_lens == 0,
            (hl > 0).astype(jnp.float32),
            dist / jnp.maximum(ref_lens, 1).astype(jnp.float32),
        )
        er_ref[...] = er


def _run_myers(eqs, ref2, hyp2):
    return pl.pallas_call(
        _myers_kernel,
        grid=(_H // 128,),
        in_specs=[
            pl.BlockSpec((128, 16, 128), lambda i: (i, 0, 0)),
            pl.BlockSpec((_P, _R), lambda i: (0, 0)),
            pl.BlockSpec((_P, _H), lambda i: (0, 0)),
        ],
        out_specs=pl.BlockSpec((_P, 1), lambda i: (0, 0)),
        out_shape=jax.ShapeDtypeStruct((_P, 1), jnp.float32),
        scratch_shapes=[
            pltpu.VMEM((16, 128), jnp.int32),
            pltpu.VMEM((16, 128), jnp.int32),
            pltpu.VMEM((_P, 1), jnp.int32),
            pltpu.VMEM((_P, 1), jnp.int32),
        ],
    )(eqs, ref2, hyp2)



def _combine_kernel(er_ref, lp_ref, out_ref):
    er = er_ref[...]
    lp = lp_ref[...]
    er = er - jnp.mean(er, axis=1, keepdims=True)
    m = jnp.max(lp, axis=1, keepdims=True)
    e = jnp.exp(lp - m)
    sm = e / jnp.sum(e, axis=1, keepdims=True)
    w = er * sm
    tot = jnp.sum(jnp.sum(w, axis=1, keepdims=True), axis=0, keepdims=True)
    out_ref[...] = tot / (er.shape[0] * er.shape[1])


@jax.jit
def kernel(log_probs, ref, hyp):
    N, samples = log_probs.shape
    R = ref.shape[1]
    H = hyp.shape[2]
    P = N * samples
    ref2 = jnp.repeat(ref[:, None, :], samples, axis=1).reshape(P, R)
    hyp2 = hyp.reshape(P, H).astype(jnp.int32)
    ref2 = ref2.astype(jnp.int32)

    peq = _build_peq_sc(ref.astype(jnp.int32).reshape(-1))
    eqs = _gather_eq_sc(peq, hyp2.reshape(-1))
    eqp = eqs.reshape(2, 16, _H, _NW).transpose(2, 1, 0, 3).reshape(_H, 16, 128)
    er = _run_myers(eqp, ref2, hyp2)

    loss = pl.pallas_call(
        _combine_kernel,
        out_shape=jax.ShapeDtypeStruct((1, 1), jnp.float32),
    )(er.reshape(N, samples), log_probs)
    return loss.reshape(())

# --- scband reference (transcript-rebuilt; emitter-appended) ---
"""Pipeline reference for scband-minimum-error-rate-loss-26259430047961 (READ-ONLY COPY).

The authoritative reference and input builder live on the scoring server;
editing this copy changes nothing except your own understanding.
"""

import jax, jax.numpy as jnp
import numpy as np

EOS = 0

def _lens_from_eos(tok, eos):
    # tok: (B, T) int. Length = index of first eos, or T if absent (include_eos=False).
    mask = tok == eos
    has = mask.any(axis=1)
    first = jnp.argmax(mask, axis=1)
    return jnp.where(has, first, tok.shape[1]).astype(jnp.int32)

def _error_rate(ref, hyp, eos):
    # ref: (B, R) int, hyp: (B, H) int. Uniform ins/del/sub cost = 1, norm=True.
    B, R = ref.shape
    H = hyp.shape[1]
    ref_lens = _lens_from_eos(ref, eos)
    hyp_lens = _lens_from_eos(hyp, eos)
    ar = jnp.arange(R + 1, dtype=jnp.float32)
    row0 = jnp.broadcast_to(ar[None, :], (B, R + 1))

    def step(row, xs):
        t, hyp_t = xs  # t scalar, hyp_t: (B,)
        nd = (t <= hyp_lens)
        # insertion: take from previous row, cost 1 while within hyp length
        top = row + nd[:, None].astype(jnp.float32)
        # substitution
        sub = row[:, :-1] + (ref != hyp_t[:, None]).astype(jnp.float32)
        cand = jnp.concatenate([top[:, :1], jnp.minimum(top[:, 1:], sub)], axis=1)
        # deletions along ref dim via min-plus cumulative min: row[i] = min(cand[i], row[i-1]+1)
        new_row = jax.lax.cummin(cand - ar[None, :], axis=1) + ar[None, :]
        row = jnp.where(nd[:, None], new_row, row)
        return row, None

    ts = jnp.arange(1, H + 1)
    row, _ = jax.lax.scan(step, row0, (ts, hyp.T))
    er = jnp.take_along_axis(row, ref_lens[:, None].astype(jnp.int32), axis=1)[:, 0]
    # norm=True: divide by reference length (zero-length refs -> 1.0 if hyp nonempty)
    er = jnp.where(ref_lens == 0, (hyp_lens > 0).astype(jnp.float32),
                   er / jnp.maximum(ref_lens, 1).astype(jnp.float32))
    return er

def setup_inputs(seed: int = 0) -> dict:
    key = jax.random.key(seed)
    k1, k2, k3 = jax.random.split(key, 3)
    log_probs = jax.random.normal(k1, (8, 4), dtype=jnp.float32)
    ref = jax.random.randint(k2, (8, 2048), 0, 1000)
    hyp = jax.random.randint(k3, (8, 4, 2048), 0, 1000)
    return {"log_probs": log_probs, "ref": ref, "hyp": hyp}

def reference(log_probs, ref, hyp):
    # MinimumErrorRateLoss, batch_first=True, sub_avg=True, reduction='mean'
    N, samples = log_probs.shape
    R = ref.shape[1]
    H = hyp.shape[2]
    ref2 = jnp.repeat(ref[:, None, :], samples, axis=1).reshape(N * samples, R)
    hyp2 = hyp.reshape(N * samples, H)
    er = _error_rate(ref2, hyp2, EOS).reshape(N, samples)
    er = er - er.mean(axis=1, keepdims=True)
    loss = er * jax.nn.softmax(log_probs, axis=1)
    return loss.mean()

if __name__ == "__main__":
    import jax
    _d = setup_inputs()
    print(jax.jit(kernel)(*tuple(_d.values())))

</pallas_src>

<mosaic_0001>
#map = affine_map<(d0, d1) -> (0)>
#map1 = affine_map<(d0, d1) -> (0, 0)>
module attributes {stable_mosaic.version = 14 : i64} {
  func.func @_peq_body(%arg0: i32, %arg1: i32, %arg2: memref<16384xi32, #tpu.memory_space<hbm>>, %arg3: memref<1000x64xi32, #tpu.memory_space<hbm>>, %arg4: memref<8000x64xi32, #tpu.memory_space<hbm>>, %arg5: memref<1000x64xi32, #tpu.memory_space<vmem>>, %arg6: memref<2048xi32, #tpu.memory_space<vmem>>, %arg7: memref<!tpu.dma_semaphore, #tpu.memory_space<semaphore_mem>>) attributes {dimension_semantics = [#tpu.dimension_semantics<core_parallel>, #tpu.dimension_semantics<subcore_parallel>], iteration_bounds = array<i64: 2, 16>, scalar_prefetch = 0 : i64, scratch_operands = 3 : i64, tpu.core_type = #tpu.core_type<sc_vector_subcore>, window_params = [{transform_indices = #map}, {transform_indices = #map1}, {transform_indices = #map1}]} {
    %mul3A = arith.constant 2 : i32
    %mul3A_0 = arith.muli %arg1, %mul3A : i32
    %add3A = arith.addi %mul3A_0, %arg0 : i32
    %iota3A = tpu.iota {dimensions = array<i32: 0>} : vector<16xi32>
    %lt3A = arith.constant 8 : i32
    %lt3A_1 = arith.cmpi slt, %add3A, %lt3A : i32
    %convert_element_type3A = arith.extui %lt3A_1 : i1 to i32
    %cond3A = arith.constant 0 : i32
    %cond3A_2 = arith.cmpi ne, %convert_element_type3A, %cond3A : i32
    scf.if %cond3A_2 {
      "tpu.region"() ({
        %run_scoped3A = tpu.sem_alloc : memref<!tpu.dma_semaphore, #tpu.memory_space<semaphore_mem>>
        tpu.enqueue_dma source(%arg3 : memref<1000x64xi32, #tpu.memory_space<hbm>>) target(%arg5 : memref<1000x64xi32, #tpu.memory_space<vmem>>) target_semaphore(%run_scoped3A : memref<!tpu.dma_semaphore, #tpu.memory_space<semaphore_mem>>)
        tpu.wait_dma2 semaphore(%run_scoped3A : memref<!tpu.dma_semaphore, #tpu.memory_space<semaphore_mem>>) src(%arg3 : memref<1000x64xi32, #tpu.memory_space<hbm>>) dst(%arg5 : memref<1000x64xi32, #tpu.memory_space<vmem>>)
        tpu.yield
      }) : () -> ()
      %mul3A_3 = arith.constant 2048 : i32
      %mul3A_4 = arith.muli %add3A, %mul3A_3 : i32
      "tpu.region"() ({
        %run_scoped3A = tpu.sem_alloc : memref<!tpu.dma_semaphore, #tpu.memory_space<semaphore_mem>>
        %dma_start3A = tpu.memref_slice %arg2[%mul3A_4] : memref<16384xi32, #tpu.memory_space<hbm>> -> memref<2048xi32, #tpu.memory_space<hbm>>
        %dma_start3A_13 = tpu.memref_slice %arg2[%mul3A_4] : memref<16384xi32, #tpu.memory_space<hbm>> -> memref<2048xi32, #tpu.memory_space<hbm>>
        tpu.enqueue_dma source(%dma_start3A_13 : memref<2048xi32, #tpu.memory_space<hbm>>) target(%arg6 : memref<2048xi32, #tpu.memory_space<vmem>>) target_semaphore(%run_scoped3A : memref<!tpu.dma_semaphore, #tpu.memory_space<semaphore_mem>>)
        %dma_wait3A = tpu.memref_slice %arg2[%mul3A_4] : memref<16384xi32, #tpu.memory_space<hbm>> -> memref<2048xi32, #tpu.memory_space<hbm>>
        %dma_wait3A_14 = tpu.memref_slice %arg2[%mul3A_4] : memref<16384xi32, #tpu.memory_space<hbm>> -> memref<2048xi32, #tpu.memory_space<hbm>>
        tpu.wait_dma2 semaphore(%run_scoped3A : memref<!tpu.dma_semaphore, #tpu.memory_space<semaphore_mem>>) src(%dma_wait3A_14 : memref<2048xi32, #tpu.memory_space<hbm>>) dst(%arg6 : memref<2048xi32, #tpu.memory_space<vmem>>)
        tpu.yield
      }) : () -> ()
      %scan3A = arith.constant 0 : i32
      %scan3A_5 = arith.constant 0 : i32
      %scan3A_6 = arith.constant 128 : i32
      %scan3A_7 = arith.addi %scan3A_5, %scan3A_6 : i32
      %scan3A_8 = arith.constant 1 : i32
      %scan3A_9 = scf.for %scan3A_13 = %scan3A_5 to %scan3A_7 step %scan3A_8 iter_args(%scan3A_14 = %scan3A) -> (i32)  : i32 {
        %jit3A = arith.constant 32 : i32
        %eq3A = arith.constant 0 : i32
        %eq3A_15 = arith.cmpi eq, %jit3A, %eq3A : i32
        %jit3A_16 = arith.constant 1 : i32
        %select_n3A = arith.select %eq3A_15, %jit3A_16, %jit3A : i32
        %rem3A = arith.remsi %scan3A_13, %select_n3A : i32
        %ne3A = arith.constant 0 : i32
        %ne3A_17 = arith.cmpi ne, %rem3A, %ne3A : i32
        %lt3A_18 = arith.constant 0 : i32
        %lt3A_19 = arith.cmpi slt, %rem3A, %lt3A_18 : i32
        %lt3A_20 = arith.constant 0 : i32
        %lt3A_21 = arith.cmpi slt, %select_n3A, %lt3A_20 : i32
        %ne3A_22 = arith.xori %lt3A_19, %lt3A_21 : i1
        %and3A = arith.andi %ne3A_22, %ne3A_17 : i1
        %add3A_23 = arith.addi %rem3A, %select_n3A : i32
        %select_n3A_24 = arith.select %and3A, %add3A_23, %rem3A : i32
        %jit3A_25 = arith.constant 32 : i32
        %div3A = arith.divsi %scan3A_13, %jit3A_25 : i32
        %sign3A = arith.constant 0 : i32
        %sign3A_26 = arith.cmpi sgt, %scan3A_13, %sign3A : i32
        %sign3A_27 = arith.extui %sign3A_26 : i1 to i32
        %sign3A_28 = arith.constant 0 : i32
        %sign3A_29 = arith.cmpi slt, %scan3A_13, %sign3A_28 : i32
        %sign3A_30 = arith.extui %sign3A_29 : i1 to i32
        %sign3A_31 = arith.subi %sign3A_27, %sign3A_30 : i32
        %sign3A_32 = arith.constant 0 : i32
        %sign3A_33 = arith.cmpi sgt, %jit3A_25, %sign3A_32 : i32
        %sign3A_34 = arith.extui %sign3A_33 : i1 to i32
        %sign3A_35 = arith.constant 0 : i32
        %sign3A_36 = arith.cmpi slt, %jit3A_25, %sign3A_35 : i32
        %sign3A_37 = arith.extui %sign3A_36 : i1 to i32
        %sign3A_38 = arith.subi %sign3A_34, %sign3A_37 : i32
        %ne3A_39 = arith.cmpi ne, %sign3A_31, %sign3A_38 : i32
        %rem3A_40 = arith.remsi %scan3A_13, %jit3A_25 : i32
        %ne3A_41 = arith.constant 0 : i32
        %ne3A_42 = arith.cmpi ne, %rem3A_40, %ne3A_41 : i32
        %and3A_43 = arith.andi %ne3A_39, %ne3A_42 : i1
        %sub3A = arith.constant 1 : i32
        %sub3A_44 = arith.subi %div3A, %sub3A : i32
        %select_n3A_45 = arith.select %and3A_43, %sub3A_44, %div3A : i32
        %mul3A_46 = arith.constant 16 : i32
        %mul3A_47 = arith.muli %select_n3A_45, %mul3A_46 : i32
        %add3A_48 = vector.broadcast %mul3A_47 : i32 to vector<16xi32>
        %add3A_49 = arith.addi %iota3A, %add3A_48 : vector<16xi32>
        %mul3A_50 = arith.constant 32 : i32
        %mul3A_51 = vector.broadcast %mul3A_50 : i32 to vector<16xi32>
        %mul3A_52 = arith.muli %add3A_49, %mul3A_51 : vector<16xi32>
        %add3A_53 = vector.broadcast %select_n3A_24 : i32 to vector<16xi32>
        %add3A_54 = arith.addi %mul3A_52, %add3A_53 : vector<16xi32>
        %gather3A = tpu.vector_load_idx %arg6[%add3A_54] : memref<2048xi32, #tpu.memory_space<vmem>>[vector<16xi32>], vector<16xi32>,
        %broadcast_in_dim3A = arith.constant 1 : i32
        %broadcast_in_dim3A_55 = vector.broadcast %broadcast_in_dim3A : i32 to vector<16xi32>
        %shift_left3A = vector.broadcast %select_n3A_24 : i32 to vector<16xi32>
        %shift_left3A_56 = arith.shli %broadcast_in_dim3A_55, %shift_left3A : vector<16xi32>
        %mul3A_57 = arith.constant 16 : i32
        %mul3A_58 = arith.muli %select_n3A_45, %mul3A_57 : i32
        %add3A_59 = vector.broadcast %mul3A_58 : i32 to vector<16xi32>
        %add3A_60 = arith.addi %iota3A, %add3A_59 : vector<16xi32>
        tpu.vector_store_idx %arg5[%gather3A, %add3A_60], %shift_left3A_56 {add = true} : memref<1000x64xi32, #tpu.memory_space<vmem>>[vector<16xi32>, vector<16xi32>], vector<16xi32>,
        %scan3A_61 = arith.constant 0 : i32
        scf.yield %scan3A_61 : i32
      }
      %scan3A_10 = arith.constant 128 : i32
      %mul3A_11 = arith.constant 1000 : i32
      %mul3A_12 = arith.muli %add3A, %mul3A_11 : i32
      "tpu.region"() ({
        %run_scoped3A = tpu.sem_alloc : memref<!tpu.dma_semaphore, #tpu.memory_space<semaphore_mem>>
        %dma_start3A = arith.constant 0 : i32
        %dma_start3A_13 = tpu.memref_slice %arg4[%mul3A_12, %dma_start3A] : memref<8000x64xi32, #tpu.memory_space<hbm>> -> memref<1000x64xi32, #tpu.memory_space<hbm>>
        %dma_start3A_14 = arith.constant 0 : i32
        %dma_start3A_15 = tpu.memref_slice %arg4[%mul3A_12, %dma_start3A_14] : memref<8000x64xi32, #tpu.memory_space<hbm>> -> memref<1000x64xi32, #tpu.memory_space<hbm>>
        tpu.enqueue_dma source(%arg5 : memref<1000x64xi32, #tpu.memory_space<vmem>>) target(%dma_start3A_15 : memref<1000x64xi32, #tpu.memory_space<hbm>>) target_semaphore(%run_scoped3A : memref<!tpu.dma_semaphore, #tpu.memory_space<semaphore_mem>>)
        %dma_wait3A = arith.constant 0 : i32
        %dma_wait3A_16 = tpu.memref_slice %arg4[%mul3A_12, %dma_wait3A] : memref<8000x64xi32, #tpu.memory_space<hbm>> -> memref<1000x64xi32, #tpu.memory_space<hbm>>
        %dma_wait3A_17 = arith.constant 0 : i32
        %dma_wait3A_18 = tpu.memref_slice %arg4[%mul3A_12, %dma_wait3A_17] : memref<8000x64xi32, #tpu.memory_space<hbm>> -> memref<1000x64xi32, #tpu.memory_space<hbm>>
        tpu.wait_dma2 semaphore(%run_scoped3A : memref<!tpu.dma_semaphore, #tpu.memory_space<semaphore_mem>>) src(%arg5 : memref<1000x64xi32, #tpu.memory_space<vmem>>) dst(%dma_wait3A_18 : memref<1000x64xi32, #tpu.memory_space<hbm>>)
        tpu.yield
      }) : () -> ()
    } else {
    }
    return
  }
}

#map = affine_map<(d0, d1) -> (0, 0)>
#map1 = affine_map<(d0, d1) -> (0)>
#map2 = affine_map<(d0, d1) -> (0, 0, 0)>
module attributes {stable_mosaic.version = 14 : i64} {
  func.func @_gather_body(%arg0: i32, %arg1: i32, %arg2: memref<8000x64xi32, #tpu.memory_space<hbm>>, %arg3: memref<65536xi32, #tpu.memory_space<hbm>>, %arg4: memref<32x2048x64xi32, #tpu.memory_space<hbm>>, %arg5: memref<128xi32, #tpu.memory_space<vmem>>, %arg6: memref<128xi32, #tpu.memory_space<vmem>>, %arg7: memref<128x64xi32, #tpu.memory_space<vmem>>, %arg8: memref<!tpu.dma_semaphore, #tpu.memory_space<semaphore_mem>>) attributes {dimension_semantics = [#tpu.dimension_semantics<core_parallel>, #tpu.dimension_semantics<subcore_parallel>], iteration_bounds = array<i64: 2, 16>, scalar_prefetch = 0 : i64, scratch_operands = 4 : i64, tpu.core_type = #tpu.core_type<sc_vector_subcore>, window_params = [{transform_indices = #map}, {transform_indices = #map1}, {transform_indices = #map2}]} {
    %mul3A = arith.constant 2 : i32
    %mul3A_0 = arith.muli %arg1, %mul3A : i32
    %add3A = arith.addi %mul3A_0, %arg0 : i32
    %jit3A = arith.constant 4 : i32
    %div3A = arith.divsi %add3A, %jit3A : i32
    %sign3A = arith.constant 0 : i32
    %sign3A_1 = arith.cmpi sgt, %add3A, %sign3A : i32
    %sign3A_2 = arith.extui %sign3A_1 : i1 to i32
    %sign3A_3 = arith.constant 0 : i32
    %sign3A_4 = arith.cmpi slt, %add3A, %sign3A_3 : i32
    %sign3A_5 = arith.extui %sign3A_4 : i1 to i32
    %sign3A_6 = arith.subi %sign3A_2, %sign3A_5 : i32
    %sign3A_7 = arith.constant 0 : i32
    %sign3A_8 = arith.cmpi sgt, %jit3A, %sign3A_7 : i32
    %sign3A_9 = arith.extui %sign3A_8 : i1 to i32
    %sign3A_10 = arith.constant 0 : i32
    %sign3A_11 = arith.cmpi slt, %jit3A, %sign3A_10 : i32
    %sign3A_12 = arith.extui %sign3A_11 : i1 to i32
    %sign3A_13 = arith.subi %sign3A_9, %sign3A_12 : i32
    %ne3A = arith.cmpi ne, %sign3A_6, %sign3A_13 : i32
    %rem3A = arith.remsi %add3A, %jit3A : i32
    %ne3A_14 = arith.constant 0 : i32
    %ne3A_15 = arith.cmpi ne, %rem3A, %ne3A_14 : i32
    %and3A = arith.andi %ne3A, %ne3A_15 : i1
    %sub3A = arith.constant 1 : i32
    %sub3A_16 = arith.subi %div3A, %sub3A : i32
    %select_n3A = arith.select %and3A, %sub3A_16, %div3A : i32
    %mul3A_17 = arith.constant 1000 : i32
    %mul3A_18 = arith.muli %select_n3A, %mul3A_17 : i32
    %scan3A = arith.constant 0 : i32
    %scan3A_19 = arith.constant 0 : i32
    %scan3A_20 = arith.constant 16 : i32
    %scan3A_21 = arith.addi %scan3A_19, %scan3A_20 : i32
    %scan3A_22 = arith.constant 1 : i32
    %scan3A_23 = scf.for %scan3A_25 = %scan3A_19 to %scan3A_21 step %scan3A_22 iter_args(%scan3A_26 = %scan3A) -> (i32)  : i32 {
      %mul3A_27 = arith.constant 2048 : i32
      %mul3A_28 = arith.muli %add3A, %mul3A_27 : i32
      %mul3A_29 = arith.constant 128 : i32
      %mul3A_30 = arith.muli %scan3A_25, %mul3A_29 : i32
      %add3A_31 = arith.addi %mul3A_28, %mul3A_30 : i32
      "tpu.region"() ({
        %run_scoped3A = tpu.sem_alloc : memref<!tpu.dma_semaphore, #tpu.memory_space<semaphore_mem>>
        %dma_start3A_46 = tpu.memref_slice %arg3[%add3A_31] : memref<65536xi32, #tpu.memory_space<hbm>> -> memref<128xi32, #tpu.memory_space<hbm>>
        %dma_start3A_47 = tpu.memref_slice %arg3[%add3A_31] : memref<65536xi32, #tpu.memory_space<hbm>> -> memref<128xi32, #tpu.memory_space<hbm>>
        tpu.enqueue_dma source(%dma_start3A_47 : memref<128xi32, #tpu.memory_space<hbm>>) target(%arg5 : memref<128xi32, #tpu.memory_space<vmem>>) target_semaphore(%run_scoped3A : memref<!tpu.dma_semaphore, #tpu.memory_space<semaphore_mem>>)
        %dma_wait3A_48 = tpu.memref_slice %arg3[%add3A_31] : memref<65536xi32, #tpu.memory_space<hbm>> -> memref<128xi32, #tpu.memory_space<hbm>>
        %dma_wait3A_49 = tpu.memref_slice %arg3[%add3A_31] : memref<65536xi32, #tpu.memory_space<hbm>> -> memref<128xi32, #tpu.memory_space<hbm>>
        tpu.wait_dma2 semaphore(%run_scoped3A : memref<!tpu.dma_semaphore, #tpu.memory_space<semaphore_mem>>) src(%dma_wait3A_49 : memref<128xi32, #tpu.memory_space<hbm>>) dst(%arg5 : memref<128xi32, #tpu.memory_space<vmem>>)
        tpu.yield
      }) : () -> ()
      %scan3A_32 = arith.constant 0 : i32
      %scan3A_33 = arith.constant 0 : i32
      %scan3A_34 = arith.constant 8 : i32
      %scan3A_35 = arith.addi %scan3A_33, %scan3A_34 : i32
      %scan3A_36 = arith.constant 1 : i32
      %scan3A_37 = scf.for %scan3A_46 = %scan3A_33 to %scan3A_35 step %scan3A_36 iter_args(%scan3A_47 = %scan3A_32) -> (i32)  : i32 {
        %mul3A_48 = arith.constant 16 : i32
        %mul3A_49 = arith.muli %scan3A_46, %mul3A_48 : i32
        %get3A = arith.index_cast %mul3A_49 : i32 to index
        %get3A_50 = tpu.vector_load %arg5[%get3A] {strides = array<i32>} : memref<128xi32, #tpu.memory_space<vmem>>, vector<16xi32>,
        %add3A_51 = vector.broadcast %mul3A_18 : i32 to vector<16xi32>
        %add3A_52 = arith.addi %get3A_50, %add3A_51 : vector<16xi32>
        %mul3A_53 = arith.constant 16 : i32
        %mul3A_54 = arith.muli %scan3A_46, %mul3A_53 : i32
        %swap3A = arith.index_cast %mul3A_54 : i32 to index
        %swap3A_55 = tpu.vector_load %arg6[%swap3A] {strides = array<i32>} : memref<128xi32, #tpu.memory_space<vmem>>, vector<16xi32>,
        tpu.vector_store %arg6[%swap3A], %add3A_52 {strides = array<i32>} : memref<128xi32, #tpu.memory_space<vmem>>, vector<16xi32>,
        %scan3A_56 = arith.constant 0 : i32
        scf.yield %scan3A_56 : i32
      }
      %scan3A_38 = arith.constant 8 : i32
      %dma_start3A = arith.constant 0 : i32
      %dma_start3A_39 = arith.constant 0 : i32
      %dma_start3A_40 = tpu.memref_slice %arg2[%dma_start3A, %dma_start3A_39] : memref<8000x64xi32, #tpu.memory_space<hbm>> -> memref<8000x64xi32, #tpu.memory_space<hbm>>
      tpu.enqueue_indirect_dma source(%dma_start3A_40 : memref<8000x64xi32, #tpu.memory_space<hbm>>) target(%arg7 : memref<128x64xi32, #tpu.memory_space<vmem>>) offsets(%arg6 : memref<128xi32, #tpu.memory_space<vmem>>) semaphore(%arg8 : memref<!tpu.dma_semaphore, #tpu.memory_space<semaphore_mem>>)
      %dma_wait3A = arith.constant 0 : i32
      %dma_wait3A_41 = arith.constant 0 : i32
      %dma_wait3A_42 = tpu.memref_slice %arg2[%dma_wait3A, %dma_wait3A_41] : memref<8000x64xi32, #tpu.memory_space<hbm>> -> memref<8000x64xi32, #tpu.memory_space<hbm>>
      tpu.wait_indirect_dma semaphore(%arg8 : memref<!tpu.dma_semaphore, #tpu.memory_space<semaphore_mem>>) src(%dma_wait3A_42 : memref<8000x64xi32, #tpu.memory_space<hbm>>) dst(%arg7 : memref<128x64xi32, #tpu.memory_space<vmem>>)
      %mul3A_43 = arith.constant 128 : i32
      %mul3A_44 = arith.muli %scan3A_25, %mul3A_43 : i32
      "tpu.region"() ({
        %run_scoped3A = tpu.sem_alloc : memref<!tpu.dma_semaphore, #tpu.memory_space<semaphore_mem>>
        %dma_start3A_46 = arith.constant 0 : i32
        %dma_start3A_47 = tpu.memref_slice %arg4[%add3A, %mul3A_44, %dma_start3A_46] : memref<32x2048x64xi32, #tpu.memory_space<hbm>> -> memref<1x128x64xi32, #tpu.memory_space<hbm>>
        %dma_start3A_48 = tpu.memref_squeeze %dma_start3A_47 : memref<1x128x64xi32, #tpu.memory_space<hbm>> -> memref<128x64xi32, #tpu.memory_space<hbm>>
        %dma_start3A_49 = arith.constant 0 : i32
        %dma_start3A_50 = tpu.memref_slice %arg4[%add3A, %mul3A_44, %dma_start3A_49] : memref<32x2048x64xi32, #tpu.memory_space<hbm>> -> memref<1x128x64xi32, #tpu.memory_space<hbm>>
        %dma_start3A_51 = tpu.memref_squeeze %dma_start3A_50 : memref<1x128x64xi32, #tpu.memory_space<hbm>> -> memref<128x64xi32, #tpu.memory_space<hbm>>
        tpu.enqueue_dma source(%arg7 : memref<128x64xi32, #tpu.memory_space<vmem>>) target(%dma_start3A_51 : memref<128x64xi32, #tpu.memory_space<hbm>>) target_semaphore(%run_scoped3A : memref<!tpu.dma_semaphore, #tpu.memory_space<semaphore_mem>>)
        %dma_wait3A_52 = arith.constant 0 : i32
        %dma_wait3A_53 = tpu.memref_slice %arg4[%add3A, %mul3A_44, %dma_wait3A_52] : memref<32x2048x64xi32, #tpu.memory_space<hbm>> -> memref<1x128x64xi32, #tpu.memory_space<hbm>>
        %dma_wait3A_54 = tpu.memref_squeeze %dma_wait3A_53 : memref<1x128x64xi32, #tpu.memory_space<hbm>> -> memref<128x64xi32, #tpu.memory_space<hbm>>
        %dma_wait3A_55 = arith.constant 0 : i32
        %dma_wait3A_56 = tpu.memref_slice %arg4[%add3A, %mul3A_44, %dma_wait3A_55] : memref<32x2048x64xi32, #tpu.memory_space<hbm>> -> memref<1x128x64xi32, #tpu.memory_space<hbm>>
        %dma_wait3A_57 = tpu.memref_squeeze %dma_wait3A_56 : memref<1x128x64xi32, #tpu.memory_space<hbm>> -> memref<128x64xi32, #tpu.memory_space<hbm>>
        tpu.wait_dma2 semaphore(%run_scoped3A : memref<!tpu.dma_semaphore, #tpu.memory_space<semaphore_mem>>) src(%arg7 : memref<128x64xi32, #tpu.memory_space<vmem>>) dst(%dma_wait3A_57 : memref<128x64xi32, #tpu.memory_space<hbm>>)
        tpu.yield
      }) : () -> ()
      %scan3A_45 = arith.constant 0 : i32
      scf.yield %scan3A_45 : i32
    }
    %scan3A_24 = arith.constant 16 : i32
    return
  }
}

module attributes {stable_mosaic.version = 14 : i64} {
  func.func @_myers_kernel(%arg0: i32, %arg1: memref<128x16x128xi32, #tpu.memory_space<vmem>>, %arg2: memref<32x2048xi32, #tpu.memory_space<vmem>>, %arg3: memref<32x2048xi32, #tpu.memory_space<vmem>>, %arg4: memref<32x1xf32, #tpu.memory_space<vmem>>, %arg5: memref<16x128xi32, #tpu.memory_space<vmem>>, %arg6: memref<16x128xi32, #tpu.memory_space<vmem>>, %arg7: memref<32x1xi32, #tpu.memory_space<vmem>>, %arg8: memref<32x1xi32, #tpu.memory_space<vmem>>) attributes {dimension_semantics = [#tpu.dimension_semantics<arbitrary>], iteration_bounds = array<i64: 16>, scalar_prefetch = 0 : i64, scratch_operands = 4 : i64, tpu.core_type = #tpu.core_type<tc>, window_params = [{transform_indices = @transform_0, window_bounds = array<i64: 128, 16, 128>}, {pipeline_mode = #tpu.pipeline_mode<synchronous>, transform_indices = @transform_1, window_bounds = array<i64: 32, 2048>}, {pipeline_mode = #tpu.pipeline_mode<synchronous>, transform_indices = @transform_2, window_bounds = array<i64: 32, 2048>}, {pipeline_mode = #tpu.pipeline_mode<synchronous>, transform_indices = @transform_3, window_bounds = array<i64: 32, 1>}]} {
    %eq3A = arith.constant 0 : i32
    %eq3A_0 = arith.cmpi eq, %arg0, %eq3A : i32
    %convert_element_type3A = arith.extui %eq3A_0 : i1 to i32
    %cond3A = arith.constant 0 : i32
    %cond3A_1 = arith.cmpi ne, %convert_element_type3A, %cond3A : i32
    scf.if %cond3A_1 {
      %iota3A_156 = tpu.iota {dimensions = array<i32: 1>} : vector<32x2048xi32>
      %get3A_157 = arith.constant 0 : index
      %get3A_158 = arith.constant 0 : index
      %get3A_159 = vector.load %arg2[%get3A_157, %get3A_158] : memref<32x2048xi32, #tpu.memory_space<vmem>>, vector<32x2048xi32>
      %get3A_160 = arith.constant 0 : index
      %get3A_161 = arith.constant 0 : index
      %get3A_162 = vector.load %arg3[%get3A_160, %get3A_161] : memref<32x2048xi32, #tpu.memory_space<vmem>>, vector<32x2048xi32>
      %eq3A_163 = arith.constant 0 : i32
      %eq3A_164 = vector.broadcast %eq3A_163 : i32 to vector<32x2048xi32>
      %eq3A_165 = arith.cmpi eq, %get3A_159, %eq3A_164 : vector<32x2048xi32>
      %jit3A_166 = arith.constant 2048 : i32
      %broadcast_in_dim3A_167 = vector.broadcast %jit3A_166 : i32 to vector<32x2048xi32>
      %select_n3A_168 = arith.select %eq3A_165, %iota3A_156, %broadcast_in_dim3A_167 : vector<32x2048xi1>, vector<32x2048xi32>
      %reduce_min3A = arith.constant dense<2147483647> : vector<32xi32>
      %reduce_min3A_169 = vector.multi_reduction <minsi>, %select_n3A_168, %reduce_min3A [1] : vector<32x2048xi32> to vector<32xi32>
      %broadcast_in_dim3A_170 = vector.shape_cast %reduce_min3A_169 : vector<32xi32> to vector<32x1xi32>
      %swap3A_171 = arith.constant 0 : index
      %swap3A_172 = arith.constant 0 : index
      %swap3A_173 = vector.load %arg7[%swap3A_171, %swap3A_172] : memref<32x1xi32, #tpu.memory_space<vmem>>, vector<32x1xi32>
      tpu.vector_store %arg7[%swap3A_171, %swap3A_172], %broadcast_in_dim3A_170 {strides = array<i32>} : memref<32x1xi32, #tpu.memory_space<vmem>>, vector<32x1xi32>,
      %eq3A_174 = arith.constant 0 : i32
      %eq3A_175 = vector.broadcast %eq3A_174 : i32 to vector<32x2048xi32>
      %eq3A_176 = arith.cmpi eq, %get3A_162, %eq3A_175 : vector<32x2048xi32>
      %jit3A_177 = arith.constant 2048 : i32
      %broadcast_in_dim3A_178 = vector.broadcast %jit3A_177 : i32 to vector<32x2048xi32>
      %select_n3A_179 = arith.select %eq3A_176, %iota3A_156, %broadcast_in_dim3A_178 : vector<32x2048xi1>, vector<32x2048xi32>
      %reduce_min3A_180 = arith.constant dense<2147483647> : vector<32xi32>
      %reduce_min3A_181 = vector.multi_reduction <minsi>, %select_n3A_179, %reduce_min3A_180 [1] : vector<32x2048xi32> to vector<32xi32>
      %broadcast_in_dim3A_182 = vector.shape_cast %reduce_min3A_181 : vector<32xi32> to vector<32x1xi32>
      %swap3A_183 = arith.constant 0 : index
      %swap3A_184 = arith.constant 0 : index
      %swap3A_185 = vector.load %arg8[%swap3A_183, %swap3A_184] : memref<32x1xi32, #tpu.memory_space<vmem>>, vector<32x1xi32>
      tpu.vector_store %arg8[%swap3A_183, %swap3A_184], %broadcast_in_dim3A_182 {strides = array<i32>} : memref<32x1xi32, #tpu.memory_space<vmem>>, vector<32x1xi32>,
      %broadcast_in_dim3A_186 = arith.constant -1 : i32
      %broadcast_in_dim3A_187 = vector.broadcast %broadcast_in_dim3A_186 : i32 to vector<16x128xi32>
      %swap3A_188 = arith.constant 0 : index
      %swap3A_189 = arith.constant 0 : index
      %swap3A_190 = vector.load %arg5[%swap3A_188, %swap3A_189] : memref<16x128xi32, #tpu.memory_space<vmem>>, vector<16x128xi32>
      tpu.vector_store %arg5[%swap3A_188, %swap3A_189], %broadcast_in_dim3A_187 {strides = array<i32>} : memref<16x128xi32, #tpu.memory_space<vmem>>, vector<16x128xi32>,
      %broadcast_in_dim3A_191 = arith.constant 0 : i32
      %broadcast_in_dim3A_192 = vector.broadcast %broadcast_in_dim3A_191 : i32 to vector<16x128xi32>
      %swap3A_193 = arith.constant 0 : index
      %swap3A_194 = arith.constant 0 : index
      %swap3A_195 = vector.load %arg6[%swap3A_193, %swap3A_194] : memref<16x128xi32, #tpu.memory_space<vmem>>, vector<16x128xi32>
      tpu.vector_store %arg6[%swap3A_193, %swap3A_194], %broadcast_in_dim3A_192 {strides = array<i32>} : memref<16x128xi32, #tpu.memory_space<vmem>>, vector<16x128xi32>,
    } else {
    }
    %get3A = arith.constant 0 : index
    %get3A_2 = arith.constant 0 : index
    %get3A_3 = vector.load %arg8[%get3A, %get3A_2] : memref<32x1xi32, #tpu.memory_space<vmem>>, vector<32x1xi32>
    %slice3A = vector.extract_strided_slice %get3A_3 {offsets = [0, 0], sizes = [16, 1], strides = [1, 1]} : vector<32x1xi32> to vector<16x1xi32>
    %broadcast_in_dim3A = vector.shape_cast %slice3A : vector<16x1xi32> to vector<16x1xi32>
    %broadcast_in_dim3A_4 = vector.broadcast %broadcast_in_dim3A : vector<16x1xi32> to vector<16x64xi32>
    %slice3A_5 = vector.extract_strided_slice %get3A_3 {offsets = [16, 0], sizes = [16, 1], strides = [1, 1]} : vector<32x1xi32> to vector<16x1xi32>
    %broadcast_in_dim3A_6 = vector.shape_cast %slice3A_5 : vector<16x1xi32> to vector<16x1xi32>
    %broadcast_in_dim3A_7 = vector.broadcast %broadcast_in_dim3A_6 : vector<16x1xi32> to vector<16x64xi32>
    %concatenate3A = tpu.concatenate %broadcast_in_dim3A_4, %broadcast_in_dim3A_7 in 1 : vector<16x64xi32>, vector<16x64xi32> -> vector<16x128xi32>
    %iota3A = tpu.iota {dimensions = array<i32: 1>} : vector<16x128xi32>
    %and3A = arith.constant 63 : i32
    %and3A_8 = vector.broadcast %and3A : i32 to vector<16x128xi32>
    %and3A_9 = arith.andi %iota3A, %and3A_8 : vector<16x128xi32>
    %ge3A = arith.constant 1 : i32
    %ge3A_10 = vector.broadcast %ge3A : i32 to vector<16x128xi32>
    %ge3A_11 = arith.cmpi sge, %and3A_9, %ge3A_10 : vector<16x128xi32>
    %jit3A = arith.constant -1 : i32
    %jit3A_12 = arith.constant 0 : i32
    %broadcast_in_dim3A_13 = vector.broadcast %jit3A : i32 to vector<16x128xi32>
    %broadcast_in_dim3A_14 = vector.broadcast %jit3A_12 : i32 to vector<16x128xi32>
    %select_n3A = arith.select %ge3A_11, %broadcast_in_dim3A_13, %broadcast_in_dim3A_14 : vector<16x128xi1>, vector<16x128xi32>
    %ge3A_15 = arith.constant 2 : i32
    %ge3A_16 = vector.broadcast %ge3A_15 : i32 to vector<16x128xi32>
    %ge3A_17 = arith.cmpi sge, %and3A_9, %ge3A_16 : vector<16x128xi32>
    %jit3A_18 = arith.constant -1 : i32
    %jit3A_19 = arith.constant 0 : i32
    %broadcast_in_dim3A_20 = vector.broadcast %jit3A_18 : i32 to vector<16x128xi32>
    %broadcast_in_dim3A_21 = vector.broadcast %jit3A_19 : i32 to vector<16x128xi32>
    %select_n3A_22 = arith.select %ge3A_17, %broadcast_in_dim3A_20, %broadcast_in_dim3A_21 : vector<16x128xi1>, vector<16x128xi32>
    %ge3A_23 = arith.constant 3 : i32
    %ge3A_24 = vector.broadcast %ge3A_23 : i32 to vector<16x128xi32>
    %ge3A_25 = arith.cmpi sge, %and3A_9, %ge3A_24 : vector<16x128xi32>
    %jit3A_26 = arith.constant -1 : i32
    %jit3A_27 = arith.constant 0 : i32
    %broadcast_in_dim3A_28 = vector.broadcast %jit3A_26 : i32 to vector<16x128xi32>
    %broadcast_in_dim3A_29 = vector.broadcast %jit3A_27 : i32 to vector<16x128xi32>
    %select_n3A_30 = arith.select %ge3A_25, %broadcast_in_dim3A_28, %broadcast_in_dim3A_29 : vector<16x128xi1>, vector<16x128xi32>
    %ge3A_31 = arith.constant 4 : i32
    %ge3A_32 = vector.broadcast %ge3A_31 : i32 to vector<16x128xi32>
    %ge3A_33 = arith.cmpi sge, %and3A_9, %ge3A_32 : vector<16x128xi32>
    %jit3A_34 = arith.constant -1 : i32
    %jit3A_35 = arith.constant 0 : i32
    %broadcast_in_dim3A_36 = vector.broadcast %jit3A_34 : i32 to vector<16x128xi32>
    %broadcast_in_dim3A_37 = vector.broadcast %jit3A_35 : i32 to vector<16x128xi32>
    %select_n3A_38 = arith.select %ge3A_33, %broadcast_in_dim3A_36, %broadcast_in_dim3A_37 : vector<16x128xi1>, vector<16x128xi32>
    %ge3A_39 = arith.constant 5 : i32
    %ge3A_40 = vector.broadcast %ge3A_39 : i32 to vector<16x128xi32>
    %ge3A_41 = arith.cmpi sge, %and3A_9, %ge3A_40 : vector<16x128xi32>
    %jit3A_42 = arith.constant -1 : i32
    %jit3A_43 = arith.constant 0 : i32
    %broadcast_in_dim3A_44 = vector.broadcast %jit3A_42 : i32 to vector<16x128xi32>
    %broadcast_in_dim3A_45 = vector.broadcast %jit3A_43 : i32 to vector<16x128xi32>
    %select_n3A_46 = arith.select %ge3A_41, %broadcast_in_dim3A_44, %broadcast_in_dim3A_45 : vector<16x128xi1>, vector<16x128xi32>
    %ge3A_47 = arith.constant 6 : i32
    %ge3A_48 = vector.broadcast %ge3A_47 : i32 to vector<16x128xi32>
    %ge3A_49 = arith.cmpi sge, %and3A_9, %ge3A_48 : vector<16x128xi32>
    %jit3A_50 = arith.constant -1 : i32
    %jit3A_51 = arith.constant 0 : i32
    %broadcast_in_dim3A_52 = vector.broadcast %jit3A_50 : i32 to vector<16x128xi32>
    %broadcast_in_dim3A_53 = vector.broadcast %jit3A_51 : i32 to vector<16x128xi32>
    %select_n3A_54 = arith.select %ge3A_49, %broadcast_in_dim3A_52, %broadcast_in_dim3A_53 : vector<16x128xi1>, vector<16x128xi32>
    %ge3A_55 = arith.constant 7 : i32
    %ge3A_56 = vector.broadcast %ge3A_55 : i32 to vector<16x128xi32>
    %ge3A_57 = arith.cmpi sge, %and3A_9, %ge3A_56 : vector<16x128xi32>
    %jit3A_58 = arith.constant -1 : i32
    %jit3A_59 = arith.constant 0 : i32
    %broadcast_in_dim3A_60 = vector.broadcast %jit3A_58 : i32 to vector<16x128xi32>
    %broadcast_in_dim3A_61 = vector.broadcast %jit3A_59 : i32 to vector<16x128xi32>
    %select_n3A_62 = arith.select %ge3A_57, %broadcast_in_dim3A_60, %broadcast_in_dim3A_61 : vector<16x128xi1>, vector<16x128xi32>
    %ge3A_63 = arith.constant 8 : i32
    %ge3A_64 = vector.broadcast %ge3A_63 : i32 to vector<16x128xi32>
    %ge3A_65 = arith.cmpi sge, %and3A_9, %ge3A_64 : vector<16x128xi32>
    %jit3A_66 = arith.constant -1 : i32
    %jit3A_67 = arith.constant 0 : i32
    %broadcast_in_dim3A_68 = vector.broadcast %jit3A_66 : i32 to vector<16x128xi32>
    %broadcast_in_dim3A_69 = vector.broadcast %jit3A_67 : i32 to vector<16x128xi32>
    %select_n3A_70 = arith.select %ge3A_65, %broadcast_in_dim3A_68, %broadcast_in_dim3A_69 : vector<16x128xi1>, vector<16x128xi32>
    %ge3A_71 = arith.constant 9 : i32
    %ge3A_72 = vector.broadcast %ge3A_71 : i32 to vector<16x128xi32>
    %ge3A_73 = arith.cmpi sge, %and3A_9, %ge3A_72 : vector<16x128xi32>
    %jit3A_74 = arith.constant -1 : i32
    %jit3A_75 = arith.constant 0 : i32
    %broadcast_in_dim3A_76 = vector.broadcast %jit3A_74 : i32 to vector<16x128xi32>
    %broadcast_in_dim3A_77 = vector.broadcast %jit3A_75 : i32 to vector<16x128xi32>
    %select_n3A_78 = arith.select %ge3A_73, %broadcast_in_dim3A_76, %broadcast_in_dim3A_77 : vector<16x128xi1>, vector<16x128xi32>
    %ge3A_79 = arith.constant 16 : i32
    %ge3A_80 = vector.broadcast %ge3A_79 : i32 to vector<16x128xi32>
    %ge3A_81 = arith.cmpi sge, %and3A_9, %ge3A_80 : vector<16x128xi32>
    %jit3A_82 = arith.constant -1 : i32
    %jit3A_83 = arith.constant 0 : i32
    %broadcast_in_dim3A_84 = vector.broadcast %jit3A_82 : i32 to vector<16x128xi32>
    %broadcast_in_dim3A_85 = vector.broadcast %jit3A_83 : i32 to vector<16x128xi32>
    %select_n3A_86 = arith.select %ge3A_81, %broadcast_in_dim3A_84, %broadcast_in_dim3A_85 : vector<16x128xi1>, vector<16x128xi32>
    %ge3A_87 = arith.constant 24 : i32
    %ge3A_88 = vector.broadcast %ge3A_87 : i32 to vector<16x128xi32>
    %ge3A_89 = arith.cmpi sge, %and3A_9, %ge3A_88 : vector<16x128xi32>
    %jit3A_90 = arith.constant -1 : i32
    %jit3A_91 = arith.constant 0 : i32
    %broadcast_in_dim3A_92 = vector.broadcast %jit3A_90 : i32 to vector<16x128xi32>
    %broadcast_in_dim3A_93 = vector.broadcast %jit3A_91 : i32 to vector<16x128xi32>
    %select_n3A_94 = arith.select %ge3A_89, %broadcast_in_dim3A_92, %broadcast_in_dim3A_93 : vector<16x128xi1>, vector<16x128xi32>
    %ge3A_95 = arith.constant 32 : i32
    %ge3A_96 = vector.broadcast %ge3A_95 : i32 to vector<16x128xi32>
    %ge3A_97 = arith.cmpi sge, %and3A_9, %ge3A_96 : vector<16x128xi32>
    %jit3A_98 = arith.constant -1 : i32
    %jit3A_99 = arith.constant 0 : i32
    %broadcast_in_dim3A_100 = vector.broadcast %jit3A_98 : i32 to vector<16x128xi32>
    %broadcast_in_dim3A_101 = vector.broadcast %jit3A_99 : i32 to vector<16x128xi32>
    %select_n3A_102 = arith.select %ge3A_97, %broadcast_in_dim3A_100, %broadcast_in_dim3A_101 : vector<16x128xi1>, vector<16x128xi32>
    %ge3A_103 = arith.constant 40 : i32
    %ge3A_104 = vector.broadcast %ge3A_103 : i32 to vector<16x128xi32>
    %ge3A_105 = arith.cmpi sge, %and3A_9, %ge3A_104 : vector<16x128xi32>
    %jit3A_106 = arith.constant -1 : i32
    %jit3A_107 = arith.constant 0 : i32
    %broadcast_in_dim3A_108 = vector.broadcast %jit3A_106 : i32 to vector<16x128xi32>
    %broadcast_in_dim3A_109 = vector.broadcast %jit3A_107 : i32 to vector<16x128xi32>
    %select_n3A_110 = arith.select %ge3A_105, %broadcast_in_dim3A_108, %broadcast_in_dim3A_109 : vector<16x128xi1>, vector<16x128xi32>
    %ge3A_111 = arith.constant 48 : i32
    %ge3A_112 = vector.broadcast %ge3A_111 : i32 to vector<16x128xi32>
    %ge3A_113 = arith.cmpi sge, %and3A_9, %ge3A_112 : vector<16x128xi32>
    %jit3A_114 = arith.constant -1 : i32
    %jit3A_115 = arith.constant 0 : i32
    %broadcast_in_dim3A_116 = vector.broadcast %jit3A_114 : i32 to vector<16x128xi32>
    %broadcast_in_dim3A_117 = vector.broadcast %jit3A_115 : i32 to vector<16x128xi32>
    %select_n3A_118 = arith.select %ge3A_113, %broadcast_in_dim3A_116, %broadcast_in_dim3A_117 : vector<16x128xi1>, vector<16x128xi32>
    %ge3A_119 = arith.constant 56 : i32
    %ge3A_120 = vector.broadcast %ge3A_119 : i32 to vector<16x128xi32>
    %ge3A_121 = arith.cmpi sge, %and3A_9, %ge3A_120 : vector<16x128xi32>
    %jit3A_122 = arith.constant -1 : i32
    %jit3A_123 = arith.constant 0 : i32
    %broadcast_in_dim3A_124 = vector.broadcast %jit3A_122 : i32 to vector<16x128xi32>
    %broadcast_in_dim3A_125 = vector.broadcast %jit3A_123 : i32 to vector<16x128xi32>
    %select_n3A_126 = arith.select %ge3A_121, %broadcast_in_dim3A_124, %broadcast_in_dim3A_125 : vector<16x128xi1>, vector<16x128xi32>
    %eq3A_127 = arith.constant 0 : i32
    %eq3A_128 = vector.broadcast %eq3A_127 : i32 to vector<16x128xi32>
    %eq3A_129 = arith.cmpi eq, %and3A_9, %eq3A_128 : vector<16x128xi32>
    %jit3A_130 = arith.constant 1 : i32
    %jit3A_131 = arith.constant 0 : i32
    %broadcast_in_dim3A_132 = vector.broadcast %jit3A_130 : i32 to vector<16x128xi32>
    %broadcast_in_dim3A_133 = vector.broadcast %jit3A_131 : i32 to vector<16x128xi32>
    %select_n3A_134 = arith.select %eq3A_129, %broadcast_in_dim3A_132, %broadcast_in_dim3A_133 : vector<16x128xi1>, vector<16x128xi32>
    %get3A_135 = arith.constant 0 : index
    %get3A_136 = arith.constant 0 : index
    %get3A_137 = vector.load %arg5[%get3A_135, %get3A_136] : memref<16x128xi32, #tpu.memory_space<vmem>>, vector<16x128xi32>
    %get3A_138 = arith.constant 0 : index
    %get3A_139 = arith.constant 0 : index
    %get3A_140 = vector.load %arg6[%get3A_138, %get3A_139] : memref<16x128xi32, #tpu.memory_space<vmem>>, vector<16x128xi32>
    %scan3A = arith.constant 0 : i32
    %scan3A_141 = arith.constant 128 : i32
    %scan3A_142 = arith.addi %scan3A, %scan3A_141 : i32
    %scan3A_143 = arith.constant 1 : i32
    %scan3A_144:2 = scf.for %scan3A_156 = %scan3A to %scan3A_142 step %scan3A_143 iter_args(%scan3A_157 = %get3A_137, %scan3A_158 = %get3A_140) -> (vector<16x128xi32>, vector<16x128xi32>)  : i32 {
      %mul3A = arith.constant 128 : i32
      %mul3A_159 = arith.muli %arg0, %mul3A : i32
      %add3A = arith.addi %mul3A_159, %scan3A_156 : i32
      %add3A_160 = arith.constant 1 : i32
      %add3A_161 = arith.addi %add3A, %add3A_160 : i32
      %get3A_162 = arith.index_cast %scan3A_156 : i32 to index
      %get3A_163 = arith.constant 0 : index
      %get3A_164 = arith.constant 0 : index
      %get3A_165 = vector.load %arg1[%get3A_162, %get3A_163, %get3A_164] : memref<128x16x128xi32, #tpu.memory_space<vmem>>, vector<1x16x128xi32>
      %get3A_166 = vector.shape_cast %get3A_165 : vector<1x16x128xi32> to vector<16x128xi32>
      %le3A = vector.broadcast %add3A_161 : i32 to vector<16x128xi32>
      %le3A_167 = arith.cmpi sle, %le3A, %concatenate3A : vector<16x128xi32>
      %or3A = arith.ori %get3A_166, %scan3A_158 : vector<16x128xi32>
      %and3A_168 = arith.andi %get3A_166, %scan3A_157 : vector<16x128xi32>
      %add3A_169 = arith.addi %and3A_168, %scan3A_157 : vector<16x128xi32>
      %not3A = arith.constant dense<-1> : vector<16x128xi32>
      %not3A_170 = arith.xori %add3A_169, %not3A : vector<16x128xi32>
      %and3A_171 = arith.andi %scan3A_157, %not3A_170 : vector<16x128xi32>
      %or3A_172 = arith.ori %and3A_168, %and3A_171 : vector<16x128xi32>
      %shift_right_arithmetic3A = arith.constant 31 : i32
      %shift_right_arithmetic3A_173 = vector.broadcast %shift_right_arithmetic3A : i32 to vector<16x128xi32>
      %shift_right_arithmetic3A_174 = arith.shrsi %or3A_172, %shift_right_arithmetic3A_173 : vector<16x128xi32>
      %and3A_175 = arith.constant 1 : i32
      %and3A_176 = vector.broadcast %and3A_175 : i32 to vector<16x128xi32>
      %and3A_177 = arith.andi %shift_right_arithmetic3A_174, %and3A_176 : vector<16x128xi32>
      %eq3A_178 = arith.constant -1 : i32
      %eq3A_179 = vector.broadcast %eq3A_178 : i32 to vector<16x128xi32>
      %eq3A_180 = arith.cmpi eq, %add3A_169, %eq3A_179 : vector<16x128xi32>
      %convert_element_type3A_181 = arith.extui %eq3A_180 : vector<16x128xi1> to vector<16x128xi32>
      %broadcast_in_dim3A_182 = arith.constant 0 : i32
      %broadcast_in_dim3A_183 = vector.broadcast %broadcast_in_dim3A_182 : i32 to vector<16x1xi32>
      %slice3A_184 = vector.extract_strided_slice %and3A_177 {offsets = [0, 0], sizes = [16, 127], strides = [1, 1]} : vector<16x128xi32> to vector<16x127xi32>
      %concatenate3A_185 = tpu.concatenate %broadcast_in_dim3A_183, %slice3A_184 in 1 : vector<16x1xi32>, vector<16x127xi32> -> vector<16x128xi32>
      %and3A_186 = arith.andi %concatenate3A_185, %select_n3A : vector<16x128xi32>
      %broadcast_in_dim3A_187 = arith.constant 0 : i32
      %broadcast_in_dim3A_188 = vector.broadcast %broadcast_in_dim3A_187 : i32 to vector<16x2xi32>
      %slice3A_189 = vector.extract_strided_slice %and3A_177 {offsets = [0, 0], sizes = [16, 126], strides = [1, 1]} : vector<16x128xi32> to vector<16x126xi32>
      %concatenate3A_190 = tpu.concatenate %broadcast_in_dim3A_188, %slice3A_189 in 1 : vector<16x2xi32>, vector<16x126xi32> -> vector<16x128xi32>
      %and3A_191 = arith.andi %concatenate3A_190, %select_n3A_22 : vector<16x128xi32>
      %broadcast_in_dim3A_192 = arith.constant 0 : i32
      %broadcast_in_dim3A_193 = vector.broadcast %broadcast_in_dim3A_192 : i32 to vector<16x3xi32>
      %slice3A_194 = vector.extract_strided_slice %and3A_177 {offsets = [0, 0], sizes = [16, 125], strides = [1, 1]} : vector<16x128xi32> to vector<16x125xi32>
      %concatenate3A_195 = tpu.concatenate %broadcast_in_dim3A_193, %slice3A_194 in 1 : vector<16x3xi32>, vector<16x125xi32> -> vector<16x128xi32>
      %and3A_196 = arith.andi %concatenate3A_195, %select_n3A_30 : vector<16x128xi32>
      %broadcast_in_dim3A_197 = arith.constant 0 : i32
      %broadcast_in_dim3A_198 = vector.broadcast %broadcast_in_dim3A_197 : i32 to vector<16x4xi32>
      %slice3A_199 = vector.extract_strided_slice %and3A_177 {offsets = [0, 0], sizes = [16, 124], strides = [1, 1]} : vector<16x128xi32> to vector<16x124xi32>
      %concatenate3A_200 = tpu.concatenate %broadcast_in_dim3A_198, %slice3A_199 in 1 : vector<16x4xi32>, vector<16x124xi32> -> vector<16x128xi32>
      %and3A_201 = arith.andi %concatenate3A_200, %select_n3A_38 : vector<16x128xi32>
      %broadcast_in_dim3A_202 = arith.constant 0 : i32
      %broadcast_in_dim3A_203 = vector.broadcast %broadcast_in_dim3A_202 : i32 to vector<16x5xi32>
      %slice3A_204 = vector.extract_strided_slice %and3A_177 {offsets = [0, 0], sizes = [16, 123], strides = [1, 1]} : vector<16x128xi32> to vector<16x123xi32>
      %concatenate3A_205 = tpu.concatenate %broadcast_in_dim3A_203, %slice3A_204 in 1 : vector<16x5xi32>, vector<16x123xi32> -> vector<16x128xi32>
      %and3A_206 = arith.andi %concatenate3A_205, %select_n3A_46 : vector<16x128xi32>
      %broadcast_in_dim3A_207 = arith.constant 0 : i32
      %broadcast_in_dim3A_208 = vector.broadcast %broadcast_in_dim3A_207 : i32 to vector<16x6xi32>
      %slice3A_209 = vector.extract_strided_slice %and3A_177 {offsets = [0, 0], sizes = [16, 122], strides = [1, 1]} : vector<16x128xi32> to vector<16x122xi32>
      %concatenate3A_210 = tpu.concatenate %broadcast_in_dim3A_208, %slice3A_209 in 1 : vector<16x6xi32>, vector<16x122xi32> -> vector<16x128xi32>
      %and3A_211 = arith.andi %concatenate3A_210, %select_n3A_54 : vector<16x128xi32>
      %broadcast_in_dim3A_212 = arith.constant 0 : i32
      %broadcast_in_dim3A_213 = vector.broadcast %broadcast_in_dim3A_212 : i32 to vector<16x7xi32>
      %slice3A_214 = vector.extract_strided_slice %and3A_177 {offsets = [0, 0], sizes = [16, 121], strides = [1, 1]} : vector<16x128xi32> to vector<16x121xi32>
      %concatenate3A_215 = tpu.concatenate %broadcast_in_dim3A_213, %slice3A_214 in 1 : vector<16x7xi32>, vector<16x121xi32> -> vector<16x128xi32>
      %and3A_216 = arith.andi %concatenate3A_215, %select_n3A_62 : vector<16x128xi32>
      %broadcast_in_dim3A_217 = arith.constant 0 : i32
      %broadcast_in_dim3A_218 = vector.broadcast %broadcast_in_dim3A_217 : i32 to vector<16x8xi32>
      %slice3A_219 = vector.extract_strided_slice %and3A_177 {offsets = [0, 0], sizes = [16, 120], strides = [1, 1]} : vector<16x128xi32> to vector<16x120xi32>
      %concatenate3A_220 = tpu.concatenate %broadcast_in_dim3A_218, %slice3A_219 in 1 : vector<16x8xi32>, vector<16x120xi32> -> vector<16x128xi32>
      %and3A_221 = arith.andi %concatenate3A_220, %select_n3A_70 : vector<16x128xi32>
      %broadcast_in_dim3A_222 = arith.constant 0 : i32
      %broadcast_in_dim3A_223 = vector.broadcast %broadcast_in_dim3A_222 : i32 to vector<16x9xi32>
      %slice3A_224 = vector.extract_strided_slice %and3A_177 {offsets = [0, 0], sizes = [16, 119], strides = [1, 1]} : vector<16x128xi32> to vector<16x119xi32>
      %concatenate3A_225 = tpu.concatenate %broadcast_in_dim3A_223, %slice3A_224 in 1 : vector<16x9xi32>, vector<16x119xi32> -> vector<16x128xi32>
      %and3A_226 = arith.andi %concatenate3A_225, %select_n3A_78 : vector<16x128xi32>
      %broadcast_in_dim3A_227 = arith.constant 0 : i32
      %broadcast_in_dim3A_228 = vector.broadcast %broadcast_in_dim3A_227 : i32 to vector<16x1xi32>
      %slice3A_229 = vector.extract_strided_slice %convert_element_type3A_181 {offsets = [0, 0], sizes = [16, 127], strides = [1, 1]} : vector<16x128xi32> to vector<16x127xi32>
      %concatenate3A_230 = tpu.concatenate %broadcast_in_dim3A_228, %slice3A_229 in 1 : vector<16x1xi32>, vector<16x127xi32> -> vector<16x128xi32>
      %and3A_231 = arith.andi %concatenate3A_230, %select_n3A : vector<16x128xi32>
      %broadcast_in_dim3A_232 = arith.constant 0 : i32
      %broadcast_in_dim3A_233 = vector.broadcast %broadcast_in_dim3A_232 : i32 to vector<16x2xi32>
      %slice3A_234 = vector.extract_strided_slice %convert_element_type3A_181 {offsets = [0, 0], sizes = [16, 126], strides = [1, 1]} : vector<16x128xi32> to vector<16x126xi32>
      %concatenate3A_235 = tpu.concatenate %broadcast_in_dim3A_233, %slice3A_234 in 1 : vector<16x2xi32>, vector<16x126xi32> -> vector<16x128xi32>
      %and3A_236 = arith.andi %concatenate3A_235, %select_n3A_22 : vector<16x128xi32>
      %broadcast_in_dim3A_237 = arith.constant 0 : i32
      %broadcast_in_dim3A_238 = vector.broadcast %broadcast_in_dim3A_237 : i32 to vector<16x3xi32>
      %slice3A_239 = vector.extract_strided_slice %convert_element_type3A_181 {offsets = [0, 0], sizes = [16, 125], strides = [1, 1]} : vector<16x128xi32> to vector<16x125xi32>
      %concatenate3A_240 = tpu.concatenate %broadcast_in_dim3A_238, %slice3A_239 in 1 : vector<16x3xi32>, vector<16x125xi32> -> vector<16x128xi32>
      %and3A_241 = arith.andi %concatenate3A_240, %select_n3A_30 : vector<16x128xi32>
      %broadcast_in_dim3A_242 = arith.constant 0 : i32
      %broadcast_in_dim3A_243 = vector.broadcast %broadcast_in_dim3A_242 : i32 to vector<16x4xi32>
      %slice3A_244 = vector.extract_strided_slice %convert_element_type3A_181 {offsets = [0, 0], sizes = [16, 124], strides = [1, 1]} : vector<16x128xi32> to vector<16x124xi32>
      %concatenate3A_245 = tpu.concatenate %broadcast_in_dim3A_243, %slice3A_244 in 1 : vector<16x4xi32>, vector<16x124xi32> -> vector<16x128xi32>
      %and3A_246 = arith.andi %concatenate3A_245, %select_n3A_38 : vector<16x128xi32>
      %broadcast_in_dim3A_247 = arith.constant 0 : i32
      %broadcast_in_dim3A_248 = vector.broadcast %broadcast_in_dim3A_247 : i32 to vector<16x5xi32>
      %slice3A_249 = vector.extract_strided_slice %convert_element_type3A_181 {offsets = [0, 0], sizes = [16, 123], strides = [1, 1]} : vector<16x128xi32> to vector<16x123xi32>
      %concatenate3A_250 = tpu.concatenate %broadcast_in_dim3A_248, %slice3A_249 in 1 : vector<16x5xi32>, vector<16x123xi32> -> vector<16x128xi32>
      %and3A_251 = arith.andi %concatenate3A_250, %select_n3A_46 : vector<16x128xi32>
      %broadcast_in_dim3A_252 = arith.constant 0 : i32
      %broadcast_in_dim3A_253 = vector.broadcast %broadcast_in_dim3A_252 : i32 to vector<16x6xi32>
      %slice3A_254 = vector.extract_strided_slice %convert_element_type3A_181 {offsets = [0, 0], sizes = [16, 122], strides = [1, 1]} : vector<16x128xi32> to vector<16x122xi32>
      %concatenate3A_255 = tpu.concatenate %broadcast_in_dim3A_253, %slice3A_254 in 1 : vector<16x6xi32>, vector<16x122xi32> -> vector<16x128xi32>
      %and3A_256 = arith.andi %concatenate3A_255, %select_n3A_54 : vector<16x128xi32>
      %broadcast_in_dim3A_257 = arith.constant 0 : i32
      %broadcast_in_dim3A_258 = vector.broadcast %broadcast_in_dim3A_257 : i32 to vector<16x7xi32>
      %slice3A_259 = vector.extract_strided_slice %convert_element_type3A_181 {offsets = [0, 0], sizes = [16, 121], strides = [1, 1]} : vector<16x128xi32> to vector<16x121xi32>
      %concatenate3A_260 = tpu.concatenate %broadcast_in_dim3A_258, %slice3A_259 in 1 : vector<16x7xi32>, vector<16x121xi32> -> vector<16x128xi32>
      %and3A_261 = arith.andi %concatenate3A_260, %select_n3A_62 : vector<16x128xi32>
      %broadcast_in_dim3A_262 = arith.constant 0 : i32
      %broadcast_in_dim3A_263 = vector.broadcast %broadcast_in_dim3A_262 : i32 to vector<16x8xi32>
      %slice3A_264 = vector.extract_strided_slice %convert_element_type3A_181 {offsets = [0, 0], sizes = [16, 120], strides = [1, 1]} : vector<16x128xi32> to vector<16x120xi32>
      %concatenate3A_265 = tpu.concatenate %broadcast_in_dim3A_263, %slice3A_264 in 1 : vector<16x8xi32>, vector<16x120xi32> -> vector<16x128xi32>
      %and3A_266 = arith.andi %concatenate3A_265, %select_n3A_70 : vector<16x128xi32>
      %broadcast_in_dim3A_267 = arith.constant 0 : i32
      %broadcast_in_dim3A_268 = vector.broadcast %broadcast_in_dim3A_267 : i32 to vector<16x9xi32>
      %slice3A_269 = vector.extract_strided_slice %convert_element_type3A_181 {offsets = [0, 0], sizes = [16, 119], strides = [1, 1]} : vector<16x128xi32> to vector<16x119xi32>
      %concatenate3A_270 = tpu.concatenate %broadcast_in_dim3A_268, %slice3A_269 in 1 : vector<16x9xi32>, vector<16x119xi32> -> vector<16x128xi32>
      %and3A_271 = arith.andi %concatenate3A_270, %select_n3A_78 : vector<16x128xi32>
      %broadcast_in_dim3A_272 = arith.constant 0 : i32
      %broadcast_in_dim3A_273 = vector.broadcast %broadcast_in_dim3A_272 : i32 to vector<16x1xi32>
      %slice3A_274 = vector.extract_strided_slice %add3A_169 {offsets = [0, 0], sizes = [16, 127], strides = [1, 1]} : vector<16x128xi32> to vector<16x127xi32>
      %concatenate3A_275 = tpu.concatenate %broadcast_in_dim3A_273, %slice3A_274 in 1 : vector<16x1xi32>, vector<16x127xi32> -> vector<16x128xi32>
      %and3A_276 = arith.andi %concatenate3A_275, %select_n3A : vector<16x128xi32>
      %broadcast_in_dim3A_277 = arith.constant 0 : i32
      %broadcast_in_dim3A_278 = vector.broadcast %broadcast_in_dim3A_277 : i32 to vector<16x1xi32>
      %slice3A_279 = vector.extract_strided_slice %scan3A_157 {offsets = [0, 0], sizes = [16, 127], strides = [1, 1]} : vector<16x128xi32> to vector<16x127xi32>
      %concatenate3A_280 = tpu.concatenate %broadcast_in_dim3A_278, %slice3A_279 in 1 : vector<16x1xi32>, vector<16x127xi32> -> vector<16x128xi32>
      %and3A_281 = arith.andi %concatenate3A_280, %select_n3A : vector<16x128xi32>
      %broadcast_in_dim3A_282 = arith.constant 0 : i32
      %broadcast_in_dim3A_283 = vector.broadcast %broadcast_in_dim3A_282 : i32 to vector<16x1xi32>
      %slice3A_284 = vector.extract_strided_slice %scan3A_158 {offsets = [0, 0], sizes = [16, 127], strides = [1, 1]} : vector<16x128xi32> to vector<16x127xi32>
      %concatenate3A_285 = tpu.concatenate %broadcast_in_dim3A_283, %slice3A_284 in 1 : vector<16x1xi32>, vector<16x127xi32> -> vector<16x128xi32>
      %and3A_286 = arith.andi %concatenate3A_285, %select_n3A : vector<16x128xi32>
      %broadcast_in_dim3A_287 = arith.constant 0 : i32
      %broadcast_in_dim3A_288 = vector.broadcast %broadcast_in_dim3A_287 : i32 to vector<16x1xi32>
      %slice3A_289 = vector.extract_strided_slice %get3A_166 {offsets = [0, 0], sizes = [16, 127], strides = [1, 1]} : vector<16x128xi32> to vector<16x127xi32>
      %concatenate3A_290 = tpu.concatenate %broadcast_in_dim3A_288, %slice3A_289 in 1 : vector<16x1xi32>, vector<16x127xi32> -> vector<16x128xi32>
      %and3A_291 = arith.andi %concatenate3A_290, %select_n3A : vector<16x128xi32>
      %and3A_292 = arith.andi %and3A_231, %and3A_191 : vector<16x128xi32>
      %or3A_293 = arith.ori %and3A_186, %and3A_292 : vector<16x128xi32>
      %and3A_294 = arith.andi %and3A_231, %and3A_236 : vector<16x128xi32>
      %and3A_295 = arith.andi %and3A_294, %and3A_196 : vector<16x128xi32>
      %or3A_296 = arith.ori %or3A_293, %and3A_295 : vector<16x128xi32>
      %and3A_297 = arith.andi %and3A_294, %and3A_241 : vector<16x128xi32>
      %and3A_298 = arith.andi %and3A_297, %and3A_201 : vector<16x128xi32>
      %or3A_299 = arith.ori %or3A_296, %and3A_298 : vector<16x128xi32>
      %and3A_300 = arith.andi %and3A_297, %and3A_246 : vector<16x128xi32>
      %and3A_301 = arith.andi %and3A_300, %and3A_206 : vector<16x128xi32>
      %or3A_302 = arith.ori %or3A_299, %and3A_301 : vector<16x128xi32>
      %and3A_303 = arith.andi %and3A_300, %and3A_251 : vector<16x128xi32>
      %and3A_304 = arith.andi %and3A_303, %and3A_211 : vector<16x128xi32>
      %or3A_305 = arith.ori %or3A_302, %and3A_304 : vector<16x128xi32>
      %and3A_306 = arith.andi %and3A_303, %and3A_256 : vector<16x128xi32>
      %and3A_307 = arith.andi %and3A_306, %and3A_216 : vector<16x128xi32>
      %or3A_308 = arith.ori %or3A_305, %and3A_307 : vector<16x128xi32>
      %and3A_309 = arith.andi %and3A_306, %and3A_261 : vector<16x128xi32>
      %and3A_310 = arith.andi %and3A_309, %and3A_221 : vector<16x128xi32>
      %or3A_311 = arith.ori %or3A_308, %and3A_310 : vector<16x128xi32>
      %and3A_312 = arith.andi %and3A_309, %and3A_266 : vector<16x128xi32>
      %and3A_313 = arith.andi %and3A_236, %and3A_196 : vector<16x128xi32>
      %or3A_314 = arith.ori %and3A_191, %and3A_313 : vector<16x128xi32>
      %and3A_315 = arith.andi %and3A_236, %and3A_241 : vector<16x128xi32>
      %and3A_316 = arith.andi %and3A_315, %and3A_201 : vector<16x128xi32>
      %or3A_317 = arith.ori %or3A_314, %and3A_316 : vector<16x128xi32>
      %and3A_318 = arith.andi %and3A_315, %and3A_246 : vector<16x128xi32>
      %and3A_319 = arith.andi %and3A_318, %and3A_206 : vector<16x128xi32>
      %or3A_320 = arith.ori %or3A_317, %and3A_319 : vector<16x128xi32>
      %and3A_321 = arith.andi %and3A_318, %and3A_251 : vector<16x128xi32>
      %and3A_322 = arith.andi %and3A_321, %and3A_211 : vector<16x128xi32>
      %or3A_323 = arith.ori %or3A_320, %and3A_322 : vector<16x128xi32>
      %and3A_324 = arith.andi %and3A_321, %and3A_256 : vector<16x128xi32>
      %and3A_325 = arith.andi %and3A_324, %and3A_216 : vector<16x128xi32>
      %or3A_326 = arith.ori %or3A_323, %and3A_325 : vector<16x128xi32>
      %and3A_327 = arith.andi %and3A_324, %and3A_261 : vector<16x128xi32>
      %and3A_328 = arith.andi %and3A_327, %and3A_221 : vector<16x128xi32>
      %or3A_329 = arith.ori %or3A_326, %and3A_328 : vector<16x128xi32>
      %and3A_330 = arith.andi %and3A_327, %and3A_266 : vector<16x128xi32>
      %and3A_331 = arith.andi %and3A_330, %and3A_226 : vector<16x128xi32>
      %or3A_332 = arith.ori %or3A_329, %and3A_331 : vector<16x128xi32>
      %and3A_333 = arith.andi %and3A_330, %and3A_271 : vector<16x128xi32>
      %broadcast_in_dim3A_334 = arith.constant 0 : i32
      %broadcast_in_dim3A_335 = vector.broadcast %broadcast_in_dim3A_334 : i32 to vector<16x8xi32>
      %slice3A_336 = vector.extract_strided_slice %or3A_311 {offsets = [0, 0], sizes = [16, 120], strides = [1, 1]} : vector<16x128xi32> to vector<16x120xi32>
      %concatenate3A_337 = tpu.concatenate %broadcast_in_dim3A_335, %slice3A_336 in 1 : vector<16x8xi32>, vector<16x120xi32> -> vector<16x128xi32>
      %and3A_338 = arith.andi %concatenate3A_337, %select_n3A_70 : vector<16x128xi32>
      %broadcast_in_dim3A_339 = arith.constant 0 : i32
      %broadcast_in_dim3A_340 = vector.broadcast %broadcast_in_dim3A_339 : i32 to vector<16x16xi32>
      %slice3A_341 = vector.extract_strided_slice %or3A_311 {offsets = [0, 0], sizes = [16, 112], strides = [1, 1]} : vector<16x128xi32> to vector<16x112xi32>
      %concatenate3A_342 = tpu.concatenate %broadcast_in_dim3A_340, %slice3A_341 in 1 : vector<16x16xi32>, vector<16x112xi32> -> vector<16x128xi32>
      %and3A_343 = arith.andi %concatenate3A_342, %select_n3A_86 : vector<16x128xi32>
      %broadcast_in_dim3A_344 = arith.constant 0 : i32
      %broadcast_in_dim3A_345 = vector.broadcast %broadcast_in_dim3A_344 : i32 to vector<16x24xi32>
      %slice3A_346 = vector.extract_strided_slice %or3A_311 {offsets = [0, 0], sizes = [16, 104], strides = [1, 1]} : vector<16x128xi32> to vector<16x104xi32>
      %concatenate3A_347 = tpu.concatenate %broadcast_in_dim3A_345, %slice3A_346 in 1 : vector<16x24xi32>, vector<16x104xi32> -> vector<16x128xi32>
      %and3A_348 = arith.andi %concatenate3A_347, %select_n3A_94 : vector<16x128xi32>
      %broadcast_in_dim3A_349 = arith.constant 0 : i32
      %broadcast_in_dim3A_350 = vector.broadcast %broadcast_in_dim3A_349 : i32 to vector<16x32xi32>
      %slice3A_351 = vector.extract_strided_slice %or3A_311 {offsets = [0, 0], sizes = [16, 96], strides = [1, 1]} : vector<16x128xi32> to vector<16x96xi32>
      %concatenate3A_352 = tpu.concatenate %broadcast_in_dim3A_350, %slice3A_351 in 1 : vector<16x32xi32>, vector<16x96xi32> -> vector<16x128xi32>
      %and3A_353 = arith.andi %concatenate3A_352, %select_n3A_102 : vector<16x128xi32>
      %broadcast_in_dim3A_354 = arith.constant 0 : i32
      %broadcast_in_dim3A_355 = vector.broadcast %broadcast_in_dim3A_354 : i32 to vector<16x40xi32>
      %slice3A_356 = vector.extract_strided_slice %or3A_311 {offsets = [0, 0], sizes = [16, 88], strides = [1, 1]} : vector<16x128xi32> to vector<16x88xi32>
      %concatenate3A_357 = tpu.concatenate %broadcast_in_dim3A_355, %slice3A_356 in 1 : vector<16x40xi32>, vector<16x88xi32> -> vector<16x128xi32>
      %and3A_358 = arith.andi %concatenate3A_357, %select_n3A_110 : vector<16x128xi32>
      %broadcast_in_dim3A_359 = arith.constant 0 : i32
      %broadcast_in_dim3A_360 = vector.broadcast %broadcast_in_dim3A_359 : i32 to vector<16x48xi32>
      %slice3A_361 = vector.extract_strided_slice %or3A_311 {offsets = [0, 0], sizes = [16, 80], strides = [1, 1]} : vector<16x128xi32> to vector<16x80xi32>
      %concatenate3A_362 = tpu.concatenate %broadcast_in_dim3A_360, %slice3A_361 in 1 : vector<16x48xi32>, vector<16x80xi32> -> vector<16x128xi32>
      %and3A_363 = arith.andi %concatenate3A_362, %select_n3A_118 : vector<16x128xi32>
      %broadcast_in_dim3A_364 = arith.constant 0 : i32
      %broadcast_in_dim3A_365 = vector.broadcast %broadcast_in_dim3A_364 : i32 to vector<16x56xi32>
      %slice3A_366 = vector.extract_strided_slice %or3A_311 {offsets = [0, 0], sizes = [16, 72], strides = [1, 1]} : vector<16x128xi32> to vector<16x72xi32>
      %concatenate3A_367 = tpu.concatenate %broadcast_in_dim3A_365, %slice3A_366 in 1 : vector<16x56xi32>, vector<16x72xi32> -> vector<16x128xi32>
      %and3A_368 = arith.andi %concatenate3A_367, %select_n3A_126 : vector<16x128xi32>
      %broadcast_in_dim3A_369 = arith.constant 0 : i32
      %broadcast_in_dim3A_370 = vector.broadcast %broadcast_in_dim3A_369 : i32 to vector<16x8xi32>
      %slice3A_371 = vector.extract_strided_slice %and3A_312 {offsets = [0, 0], sizes = [16, 120], strides = [1, 1]} : vector<16x128xi32> to vector<16x120xi32>
      %concatenate3A_372 = tpu.concatenate %broadcast_in_dim3A_370, %slice3A_371 in 1 : vector<16x8xi32>, vector<16x120xi32> -> vector<16x128xi32>
      %and3A_373 = arith.andi %concatenate3A_372, %select_n3A_70 : vector<16x128xi32>
      %broadcast_in_dim3A_374 = arith.constant 0 : i32
      %broadcast_in_dim3A_375 = vector.broadcast %broadcast_in_dim3A_374 : i32 to vector<16x16xi32>
      %slice3A_376 = vector.extract_strided_slice %and3A_312 {offsets = [0, 0], sizes = [16, 112], strides = [1, 1]} : vector<16x128xi32> to vector<16x112xi32>
      %concatenate3A_377 = tpu.concatenate %broadcast_in_dim3A_375, %slice3A_376 in 1 : vector<16x16xi32>, vector<16x112xi32> -> vector<16x128xi32>
      %and3A_378 = arith.andi %concatenate3A_377, %select_n3A_86 : vector<16x128xi32>
      %broadcast_in_dim3A_379 = arith.constant 0 : i32
      %broadcast_in_dim3A_380 = vector.broadcast %broadcast_in_dim3A_379 : i32 to vector<16x24xi32>
      %slice3A_381 = vector.extract_strided_slice %and3A_312 {offsets = [0, 0], sizes = [16, 104], strides = [1, 1]} : vector<16x128xi32> to vector<16x104xi32>
      %concatenate3A_382 = tpu.concatenate %broadcast_in_dim3A_380, %slice3A_381 in 1 : vector<16x24xi32>, vector<16x104xi32> -> vector<16x128xi32>
      %and3A_383 = arith.andi %concatenate3A_382, %select_n3A_94 : vector<16x128xi32>
      %broadcast_in_dim3A_384 = arith.constant 0 : i32
      %broadcast_in_dim3A_385 = vector.broadcast %broadcast_in_dim3A_384 : i32 to vector<16x32xi32>
      %slice3A_386 = vector.extract_strided_slice %and3A_312 {offsets = [0, 0], sizes = [16, 96], strides = [1, 1]} : vector<16x128xi32> to vector<16x96xi32>
      %concatenate3A_387 = tpu.concatenate %broadcast_in_dim3A_385, %slice3A_386 in 1 : vector<16x32xi32>, vector<16x96xi32> -> vector<16x128xi32>
      %and3A_388 = arith.andi %concatenate3A_387, %select_n3A_102 : vector<16x128xi32>
      %broadcast_in_dim3A_389 = arith.constant 0 : i32
      %broadcast_in_dim3A_390 = vector.broadcast %broadcast_in_dim3A_389 : i32 to vector<16x40xi32>
      %slice3A_391 = vector.extract_strided_slice %and3A_312 {offsets = [0, 0], sizes = [16, 88], strides = [1, 1]} : vector<16x128xi32> to vector<16x88xi32>
      %concatenate3A_392 = tpu.concatenate %broadcast_in_dim3A_390, %slice3A_391 in 1 : vector<16x40xi32>, vector<16x88xi32> -> vector<16x128xi32>
      %and3A_393 = arith.andi %concatenate3A_392, %select_n3A_110 : vector<16x128xi32>
      %broadcast_in_dim3A_394 = arith.constant 0 : i32
      %broadcast_in_dim3A_395 = vector.broadcast %broadcast_in_dim3A_394 : i32 to vector<16x48xi32>
      %slice3A_396 = vector.extract_strided_slice %and3A_312 {offsets = [0, 0], sizes = [16, 80], strides = [1, 1]} : vector<16x128xi32> to vector<16x80xi32>
      %concatenate3A_397 = tpu.concatenate %broadcast_in_dim3A_395, %slice3A_396 in 1 : vector<16x48xi32>, vector<16x80xi32> -> vector<16x128xi32>
      %and3A_398 = arith.andi %concatenate3A_397, %select_n3A_118 : vector<16x128xi32>
      %and3A_399 = arith.andi %and3A_312, %and3A_338 : vector<16x128xi32>
      %or3A_400 = arith.ori %or3A_311, %and3A_399 : vector<16x128xi32>
      %and3A_401 = arith.andi %and3A_312, %and3A_373 : vector<16x128xi32>
      %and3A_402 = arith.andi %and3A_401, %and3A_343 : vector<16x128xi32>
      %or3A_403 = arith.ori %or3A_400, %and3A_402 : vector<16x128xi32>
      %and3A_404 = arith.andi %and3A_401, %and3A_378 : vector<16x128xi32>
      %and3A_405 = arith.andi %and3A_404, %and3A_348 : vector<16x128xi32>
      %or3A_406 = arith.ori %or3A_403, %and3A_405 : vector<16x128xi32>
      %and3A_407 = arith.andi %and3A_404, %and3A_383 : vector<16x128xi32>
      %and3A_408 = arith.andi %and3A_407, %and3A_353 : vector<16x128xi32>
      %or3A_409 = arith.ori %or3A_406, %and3A_408 : vector<16x128xi32>
      %and3A_410 = arith.andi %and3A_407, %and3A_388 : vector<16x128xi32>
      %and3A_411 = arith.andi %and3A_410, %and3A_358 : vector<16x128xi32>
      %or3A_412 = arith.ori %or3A_409, %and3A_411 : vector<16x128xi32>
      %and3A_413 = arith.andi %and3A_410, %and3A_393 : vector<16x128xi32>
      %and3A_414 = arith.andi %and3A_413, %and3A_363 : vector<16x128xi32>
      %or3A_415 = arith.ori %or3A_412, %and3A_414 : vector<16x128xi32>
      %and3A_416 = arith.andi %and3A_413, %and3A_398 : vector<16x128xi32>
      %and3A_417 = arith.andi %and3A_416, %and3A_368 : vector<16x128xi32>
      %or3A_418 = arith.ori %or3A_415, %and3A_417 : vector<16x128xi32>
      %broadcast_in_dim3A_419 = arith.constant 0 : i32
      %broadcast_in_dim3A_420 = vector.broadcast %broadcast_in_dim3A_419 : i32 to vector<16x8xi32>
      %slice3A_421 = vector.extract_strided_slice %or3A_332 {offsets = [0, 0], sizes = [16, 120], strides = [1, 1]} : vector<16x128xi32> to vector<16x120xi32>
      %concatenate3A_422 = tpu.concatenate %broadcast_in_dim3A_420, %slice3A_421 in 1 : vector<16x8xi32>, vector<16x120xi32> -> vector<16x128xi32>
      %and3A_423 = arith.andi %concatenate3A_422, %select_n3A_70 : vector<16x128xi32>
      %broadcast_in_dim3A_424 = arith.constant 0 : i32
      %broadcast_in_dim3A_425 = vector.broadcast %broadcast_in_dim3A_424 : i32 to vector<16x16xi32>
      %slice3A_426 = vector.extract_strided_slice %or3A_332 {offsets = [0, 0], sizes = [16, 112], strides = [1, 1]} : vector<16x128xi32> to vector<16x112xi32>
      %concatenate3A_427 = tpu.concatenate %broadcast_in_dim3A_425, %slice3A_426 in 1 : vector<16x16xi32>, vector<16x112xi32> -> vector<16x128xi32>
      %and3A_428 = arith.andi %concatenate3A_427, %select_n3A_86 : vector<16x128xi32>
      %broadcast_in_dim3A_429 = arith.constant 0 : i32
      %broadcast_in_dim3A_430 = vector.broadcast %broadcast_in_dim3A_429 : i32 to vector<16x24xi32>
      %slice3A_431 = vector.extract_strided_slice %or3A_332 {offsets = [0, 0], sizes = [16, 104], strides = [1, 1]} : vector<16x128xi32> to vector<16x104xi32>
      %concatenate3A_432 = tpu.concatenate %broadcast_in_dim3A_430, %slice3A_431 in 1 : vector<16x24xi32>, vector<16x104xi32> -> vector<16x128xi32>
      %and3A_433 = arith.andi %concatenate3A_432, %select_n3A_94 : vector<16x128xi32>
      %broadcast_in_dim3A_434 = arith.constant 0 : i32
      %broadcast_in_dim3A_435 = vector.broadcast %broadcast_in_dim3A_434 : i32 to vector<16x32xi32>
      %slice3A_436 = vector.extract_strided_slice %or3A_332 {offsets = [0, 0], sizes = [16, 96], strides = [1, 1]} : vector<16x128xi32> to vector<16x96xi32>
      %concatenate3A_437 = tpu.concatenate %broadcast_in_dim3A_435, %slice3A_436 in 1 : vector<16x32xi32>, vector<16x96xi32> -> vector<16x128xi32>
      %and3A_438 = arith.andi %concatenate3A_437, %select_n3A_102 : vector<16x128xi32>
      %broadcast_in_dim3A_439 = arith.constant 0 : i32
      %broadcast_in_dim3A_440 = vector.broadcast %broadcast_in_dim3A_439 : i32 to vector<16x40xi32>
      %slice3A_441 = vector.extract_strided_slice %or3A_332 {offsets = [0, 0], sizes = [16, 88], strides = [1, 1]} : vector<16x128xi32> to vector<16x88xi32>
      %concatenate3A_442 = tpu.concatenate %broadcast_in_dim3A_440, %slice3A_441 in 1 : vector<16x40xi32>, vector<16x88xi32> -> vector<16x128xi32>
      %and3A_443 = arith.andi %concatenate3A_442, %select_n3A_110 : vector<16x128xi32>
      %broadcast_in_dim3A_444 = arith.constant 0 : i32
      %broadcast_in_dim3A_445 = vector.broadcast %broadcast_in_dim3A_444 : i32 to vector<16x48xi32>
      %slice3A_446 = vector.extract_strided_slice %or3A_332 {offsets = [0, 0], sizes = [16, 80], strides = [1, 1]} : vector<16x128xi32> to vector<16x80xi32>
      %concatenate3A_447 = tpu.concatenate %broadcast_in_dim3A_445, %slice3A_446 in 1 : vector<16x48xi32>, vector<16x80xi32> -> vector<16x128xi32>
      %and3A_448 = arith.andi %concatenate3A_447, %select_n3A_118 : vector<16x128xi32>
      %broadcast_in_dim3A_449 = arith.constant 0 : i32
      %broadcast_in_dim3A_450 = vector.broadcast %broadcast_in_dim3A_449 : i32 to vector<16x56xi32>
      %slice3A_451 = vector.extract_strided_slice %or3A_332 {offsets = [0, 0], sizes = [16, 72], strides = [1, 1]} : vector<16x128xi32> to vector<16x72xi32>
      %concatenate3A_452 = tpu.concatenate %broadcast_in_dim3A_450, %slice3A_451 in 1 : vector<16x56xi32>, vector<16x72xi32> -> vector<16x128xi32>
      %and3A_453 = arith.andi %concatenate3A_452, %select_n3A_126 : vector<16x128xi32>
      %broadcast_in_dim3A_454 = arith.constant 0 : i32
      %broadcast_in_dim3A_455 = vector.broadcast %broadcast_in_dim3A_454 : i32 to vector<16x8xi32>
      %slice3A_456 = vector.extract_strided_slice %and3A_333 {offsets = [0, 0], sizes = [16, 120], strides = [1, 1]} : vector<16x128xi32> to vector<16x120xi32>
      %concatenate3A_457 = tpu.concatenate %broadcast_in_dim3A_455, %slice3A_456 in 1 : vector<16x8xi32>, vector<16x120xi32> -> vector<16x128xi32>
      %and3A_458 = arith.andi %concatenate3A_457, %select_n3A_70 : vector<16x128xi32>
      %broadcast_in_dim3A_459 = arith.constant 0 : i32
      %broadcast_in_dim3A_460 = vector.broadcast %broadcast_in_dim3A_459 : i32 to vector<16x16xi32>
      %slice3A_461 = vector.extract_strided_slice %and3A_333 {offsets = [0, 0], sizes = [16, 112], strides = [1, 1]} : vector<16x128xi32> to vector<16x112xi32>
      %concatenate3A_462 = tpu.concatenate %broadcast_in_dim3A_460, %slice3A_461 in 1 : vector<16x16xi32>, vector<16x112xi32> -> vector<16x128xi32>
      %and3A_463 = arith.andi %concatenate3A_462, %select_n3A_86 : vector<16x128xi32>
      %broadcast_in_dim3A_464 = arith.constant 0 : i32
      %broadcast_in_dim3A_465 = vector.broadcast %broadcast_in_dim3A_464 : i32 to vector<16x24xi32>
      %slice3A_466 = vector.extract_strided_slice %and3A_333 {offsets = [0, 0], sizes = [16, 104], strides = [1, 1]} : vector<16x128xi32> to vector<16x104xi32>
      %concatenate3A_467 = tpu.concatenate %broadcast_in_dim3A_465, %slice3A_466 in 1 : vector<16x24xi32>, vector<16x104xi32> -> vector<16x128xi32>
      %and3A_468 = arith.andi %concatenate3A_467, %select_n3A_94 : vector<16x128xi32>
      %broadcast_in_dim3A_469 = arith.constant 0 : i32
      %broadcast_in_dim3A_470 = vector.broadcast %broadcast_in_dim3A_469 : i32 to vector<16x32xi32>
      %slice3A_471 = vector.extract_strided_slice %and3A_333 {offsets = [0, 0], sizes = [16, 96], strides = [1, 1]} : vector<16x128xi32> to vector<16x96xi32>
      %concatenate3A_472 = tpu.concatenate %broadcast_in_dim3A_470, %slice3A_471 in 1 : vector<16x32xi32>, vector<16x96xi32> -> vector<16x128xi32>
      %and3A_473 = arith.andi %concatenate3A_472, %select_n3A_102 : vector<16x128xi32>
      %broadcast_in_dim3A_474 = arith.constant 0 : i32
      %broadcast_in_dim3A_475 = vector.broadcast %broadcast_in_dim3A_474 : i32 to vector<16x40xi32>
      %slice3A_476 = vector.extract_strided_slice %and3A_333 {offsets = [0, 0], sizes = [16, 88], strides = [1, 1]} : vector<16x128xi32> to vector<16x88xi32>
      %concatenate3A_477 = tpu.concatenate %broadcast_in_dim3A_475, %slice3A_476 in 1 : vector<16x40xi32>, vector<16x88xi32> -> vector<16x128xi32>
      %and3A_478 = arith.andi %concatenate3A_477, %select_n3A_110 : vector<16x128xi32>
      %broadcast_in_dim3A_479 = arith.constant 0 : i32
      %broadcast_in_dim3A_480 = vector.broadcast %broadcast_in_dim3A_479 : i32 to vector<16x48xi32>
      %slice3A_481 = vector.extract_strided_slice %and3A_333 {offsets = [0, 0], sizes = [16, 80], strides = [1, 1]} : vector<16x128xi32> to vector<16x80xi32>
      %concatenate3A_482 = tpu.concatenate %broadcast_in_dim3A_480, %slice3A_481 in 1 : vector<16x48xi32>, vector<16x80xi32> -> vector<16x128xi32>
      %and3A_483 = arith.andi %concatenate3A_482, %select_n3A_118 : vector<16x128xi32>
      %and3A_484 = arith.andi %and3A_333, %and3A_423 : vector<16x128xi32>
      %or3A_485 = arith.ori %or3A_332, %and3A_484 : vector<16x128xi32>
      %and3A_486 = arith.andi %and3A_333, %and3A_458 : vector<16x128xi32>
      %and3A_487 = arith.andi %and3A_486, %and3A_428 : vector<16x128xi32>
      %or3A_488 = arith.ori %or3A_485, %and3A_487 : vector<16x128xi32>
      %and3A_489 = arith.andi %and3A_486, %and3A_463 : vector<16x128xi32>
      %and3A_490 = arith.andi %and3A_489, %and3A_433 : vector<16x128xi32>
      %or3A_491 = arith.ori %or3A_488, %and3A_490 : vector<16x128xi32>
      %and3A_492 = arith.andi %and3A_489, %and3A_468 : vector<16x128xi32>
      %and3A_493 = arith.andi %and3A_492, %and3A_438 : vector<16x128xi32>
      %or3A_494 = arith.ori %or3A_491, %and3A_493 : vector<16x128xi32>
      %and3A_495 = arith.andi %and3A_492, %and3A_473 : vector<16x128xi32>
      %and3A_496 = arith.andi %and3A_495, %and3A_443 : vector<16x128xi32>
      %or3A_497 = arith.ori %or3A_494, %and3A_496 : vector<16x128xi32>
      %and3A_498 = arith.andi %and3A_495, %and3A_478 : vector<16x128xi32>
      %and3A_499 = arith.andi %and3A_498, %and3A_448 : vector<16x128xi32>
      %or3A_500 = arith.ori %or3A_497, %and3A_499 : vector<16x128xi32>
      %and3A_501 = arith.andi %and3A_498, %and3A_483 : vector<16x128xi32>
      %and3A_502 = arith.andi %and3A_501, %and3A_453 : vector<16x128xi32>
      %or3A_503 = arith.ori %or3A_500, %and3A_502 : vector<16x128xi32>
      %add3A_504 = arith.addi %add3A_169, %or3A_418 : vector<16x128xi32>
      %xor3A = arith.xori %add3A_504, %scan3A_157 : vector<16x128xi32>
      %or3A_505 = arith.ori %xor3A, %get3A_166 : vector<16x128xi32>
      %or3A_506 = arith.ori %or3A_505, %scan3A_157 : vector<16x128xi32>
      %not3A_507 = arith.constant dense<-1> : vector<16x128xi32>
      %not3A_508 = arith.xori %or3A_506, %not3A_507 : vector<16x128xi32>
      %or3A_509 = arith.ori %scan3A_158, %not3A_508 : vector<16x128xi32>
      %and3A_510 = arith.andi %scan3A_157, %or3A_505 : vector<16x128xi32>
      %add3A_511 = arith.addi %and3A_276, %or3A_503 : vector<16x128xi32>
      %xor3A_512 = arith.xori %add3A_511, %and3A_281 : vector<16x128xi32>
      %or3A_513 = arith.ori %xor3A_512, %and3A_291 : vector<16x128xi32>
      %or3A_514 = arith.ori %or3A_513, %and3A_281 : vector<16x128xi32>
      %not3A_515 = arith.constant dense<-1> : vector<16x128xi32>
      %not3A_516 = arith.xori %or3A_514, %not3A_515 : vector<16x128xi32>
      %or3A_517 = arith.ori %and3A_286, %not3A_516 : vector<16x128xi32>
      %and3A_518 = arith.andi %and3A_281, %or3A_513 : vector<16x128xi32>
      %shift_left3A = arith.constant 1 : i32
      %shift_left3A_519 = vector.broadcast %shift_left3A : i32 to vector<16x128xi32>
      %shift_left3A_520 = arith.shli %or3A_509, %shift_left3A_519 : vector<16x128xi32>
      %shift_right_arithmetic3A_521 = arith.constant 31 : i32
      %shift_right_arithmetic3A_522 = vector.broadcast %shift_right_arithmetic3A_521 : i32 to vector<16x128xi32>
      %shift_right_arithmetic3A_523 = arith.shrsi %or3A_517, %shift_right_arithmetic3A_522 : vector<16x128xi32>
      %and3A_524 = arith.constant 1 : i32
      %and3A_525 = vector.broadcast %and3A_524 : i32 to vector<16x128xi32>
      %and3A_526 = arith.andi %shift_right_arithmetic3A_523, %and3A_525 : vector<16x128xi32>
      %or3A_527 = arith.ori %shift_left3A_520, %and3A_526 : vector<16x128xi32>
      %or3A_528 = arith.ori %or3A_527, %select_n3A_134 : vector<16x128xi32>
      %shift_left3A_529 = arith.constant 1 : i32
      %shift_left3A_530 = vector.broadcast %shift_left3A_529 : i32 to vector<16x128xi32>
      %shift_left3A_531 = arith.shli %and3A_510, %shift_left3A_530 : vector<16x128xi32>
      %shift_right_arithmetic3A_532 = arith.constant 31 : i32
      %shift_right_arithmetic3A_533 = vector.broadcast %shift_right_arithmetic3A_532 : i32 to vector<16x128xi32>
      %shift_right_arithmetic3A_534 = arith.shrsi %and3A_518, %shift_right_arithmetic3A_533 : vector<16x128xi32>
      %and3A_535 = arith.constant 1 : i32
      %and3A_536 = vector.broadcast %and3A_535 : i32 to vector<16x128xi32>
      %and3A_537 = arith.andi %shift_right_arithmetic3A_534, %and3A_536 : vector<16x128xi32>
      %or3A_538 = arith.ori %shift_left3A_531, %and3A_537 : vector<16x128xi32>
      %or3A_539 = arith.ori %or3A, %or3A_528 : vector<16x128xi32>
      %not3A_540 = arith.constant dense<-1> : vector<16x128xi32>
      %not3A_541 = arith.xori %or3A_539, %not3A_540 : vector<16x128xi32>
      %or3A_542 = arith.ori %or3A_538, %not3A_541 : vector<16x128xi32>
      %and3A_543 = arith.andi %or3A_528, %or3A : vector<16x128xi32>
      %select_n3A_544 = arith.select %le3A_167, %or3A_542, %scan3A_157 : vector<16x128xi1>, vector<16x128xi32>
      %select_n3A_545 = arith.select %le3A_167, %and3A_543, %scan3A_158 : vector<16x128xi1>, vector<16x128xi32>
      scf.yield %select_n3A_544, %select_n3A_545 : vector<16x128xi32>, vector<16x128xi32>
    }
    %scan3A_145 = arith.constant 128 : i32
    %swap3A = arith.constant 0 : index
    %swap3A_146 = arith.constant 0 : index
    %swap3A_147 = vector.load %arg5[%swap3A, %swap3A_146] : memref<16x128xi32, #tpu.memory_space<vmem>>, vector<16x128xi32>
    tpu.vector_store %arg5[%swap3A, %swap3A_146], %scan3A_144#0 {strides = array<i32>} : memref<16x128xi32, #tpu.memory_space<vmem>>, vector<16x128xi32>,
    %swap3A_148 = arith.constant 0 : index
    %swap3A_149 = arith.constant 0 : index
    %swap3A_150 = vector.load %arg6[%swap3A_148, %swap3A_149] : memref<16x128xi32, #tpu.memory_space<vmem>>, vector<16x128xi32>
    tpu.vector_store %arg6[%swap3A_148, %swap3A_149], %scan3A_144#1 {strides = array<i32>} : memref<16x128xi32, #tpu.memory_space<vmem>>, vector<16x128xi32>,
    %eq3A_151 = arith.constant 15 : i32
    %eq3A_152 = arith.cmpi eq, %arg0, %eq3A_151 : i32
    %convert_element_type3A_153 = arith.extui %eq3A_152 : i1 to i32
    %cond3A_154 = arith.constant 0 : i32
    %cond3A_155 = arith.cmpi ne, %convert_element_type3A_153, %cond3A_154 : i32
    scf.if %cond3A_155 {
      %get3A_156 = arith.constant 0 : index
      %get3A_157 = arith.constant 0 : index
      %get3A_158 = vector.load %arg7[%get3A_156, %get3A_157] : memref<32x1xi32, #tpu.memory_space<vmem>>, vector<32x1xi32>
      %get3A_159 = arith.constant 0 : index
      %get3A_160 = arith.constant 0 : index
      %get3A_161 = vector.load %arg8[%get3A_159, %get3A_160] : memref<32x1xi32, #tpu.memory_space<vmem>>, vector<32x1xi32>
      %slice3A_162 = vector.extract_strided_slice %get3A_158 {offsets = [0, 0], sizes = [16, 1], strides = [1, 1]} : vector<32x1xi32> to vector<16x1xi32>
      %broadcast_in_dim3A_163 = vector.shape_cast %slice3A_162 : vector<16x1xi32> to vector<16x1xi32>
      %broadcast_in_dim3A_164 = vector.broadcast %broadcast_in_dim3A_163 : vector<16x1xi32> to vector<16x64xi32>
      %slice3A_165 = vector.extract_strided_slice %get3A_158 {offsets = [16, 0], sizes = [16, 1], strides = [1, 1]} : vector<32x1xi32> to vector<16x1xi32>
      %broadcast_in_dim3A_166 = vector.shape_cast %slice3A_165 : vector<16x1xi32> to vector<16x1xi32>
      %broadcast_in_dim3A_167 = vector.broadcast %broadcast_in_dim3A_166 : vector<16x1xi32> to vector<16x64xi32>
      %concatenate3A_168 = tpu.concatenate %broadcast_in_dim3A_164, %broadcast_in_dim3A_167 in 1 : vector<16x64xi32>, vector<16x64xi32> -> vector<16x128xi32>
      %mul3A = arith.constant 32 : i32
      %mul3A_169 = vector.broadcast %mul3A : i32 to vector<16x128xi32>
      %mul3A_170 = arith.muli %and3A_9, %mul3A_169 : vector<16x128xi32>
      %sub3A = arith.subi %concatenate3A_168, %mul3A_170 : vector<16x128xi32>
      %jit3A_171 = arith.constant 0 : i32
      %jit3A_172 = arith.constant 32 : i32
      %max3A = vector.broadcast %jit3A_171 : i32 to vector<16x128xi32>
      %max3A_173 = arith.maxsi %max3A, %sub3A : vector<16x128xi32>
      %min3A = vector.broadcast %jit3A_172 : i32 to vector<16x128xi32>
      %min3A_174 = arith.minsi %min3A, %max3A_173 : vector<16x128xi32>
      %min3A_175 = arith.constant 31 : i32
      %min3A_176 = vector.broadcast %min3A_175 : i32 to vector<16x128xi32>
      %min3A_177 = arith.minsi %min3A_174, %min3A_176 : vector<16x128xi32>
      %ge3A_178 = arith.constant 32 : i32
      %ge3A_179 = vector.broadcast %ge3A_178 : i32 to vector<16x128xi32>
      %ge3A_180 = arith.cmpi sge, %min3A_174, %ge3A_179 : vector<16x128xi32>
      %shift_left3A = arith.constant 1 : i32
      %shift_left3A_181 = vector.broadcast %shift_left3A : i32 to vector<16x128xi32>
      %shift_left3A_182 = arith.shli %shift_left3A_181, %min3A_177 : vector<16x128xi32>
      %sub3A_183 = arith.constant 1 : i32
      %sub3A_184 = vector.broadcast %sub3A_183 : i32 to vector<16x128xi32>
      %sub3A_185 = arith.subi %shift_left3A_182, %sub3A_184 : vector<16x128xi32>
      %jit3A_186 = arith.constant -1 : i32
      %broadcast_in_dim3A_187 = vector.broadcast %jit3A_186 : i32 to vector<16x128xi32>
      %select_n3A_188 = arith.select %ge3A_180, %broadcast_in_dim3A_187, %sub3A_185 : vector<16x128xi1>, vector<16x128xi32>
      %get3A_189 = arith.constant 0 : index
      %get3A_190 = arith.constant 0 : index
      %get3A_191 = vector.load %arg5[%get3A_189, %get3A_190] : memref<16x128xi32, #tpu.memory_space<vmem>>, vector<16x128xi32>
      %and3A_192 = arith.andi %get3A_191, %select_n3A_188 : vector<16x128xi32>
      %shift_right_arithmetic3A = arith.constant 1 : i32
      %shift_right_arithmetic3A_193 = vector.broadcast %shift_right_arithmetic3A : i32 to vector<16x128xi32>
      %shift_right_arithmetic3A_194 = arith.shrsi %and3A_192, %shift_right_arithmetic3A_193 : vector<16x128xi32>
      %and3A_195 = arith.constant 1431655765 : i32
      %and3A_196 = vector.broadcast %and3A_195 : i32 to vector<16x128xi32>
      %and3A_197 = arith.andi %shift_right_arithmetic3A_194, %and3A_196 : vector<16x128xi32>
      %sub3A_198 = arith.subi %and3A_192, %and3A_197 : vector<16x128xi32>
      %and3A_199 = arith.constant 858993459 : i32
      %and3A_200 = vector.broadcast %and3A_199 : i32 to vector<16x128xi32>
      %and3A_201 = arith.andi %sub3A_198, %and3A_200 : vector<16x128xi32>
      %shift_right_arithmetic3A_202 = arith.constant 2 : i32
      %shift_right_arithmetic3A_203 = vector.broadcast %shift_right_arithmetic3A_202 : i32 to vector<16x128xi32>
      %shift_right_arithmetic3A_204 = arith.shrsi %sub3A_198, %shift_right_arithmetic3A_203 : vector<16x128xi32>
      %and3A_205 = arith.constant 858993459 : i32
      %and3A_206 = vector.broadcast %and3A_205 : i32 to vector<16x128xi32>
      %and3A_207 = arith.andi %shift_right_arithmetic3A_204, %and3A_206 : vector<16x128xi32>
      %add3A = arith.addi %and3A_201, %and3A_207 : vector<16x128xi32>
      %shift_right_arithmetic3A_208 = arith.constant 4 : i32
      %shift_right_arithmetic3A_209 = vector.broadcast %shift_right_arithmetic3A_208 : i32 to vector<16x128xi32>
      %shift_right_arithmetic3A_210 = arith.shrsi %add3A, %shift_right_arithmetic3A_209 : vector<16x128xi32>
      %add3A_211 = arith.addi %add3A, %shift_right_arithmetic3A_210 : vector<16x128xi32>
      %and3A_212 = arith.constant 252645135 : i32
      %and3A_213 = vector.broadcast %and3A_212 : i32 to vector<16x128xi32>
      %and3A_214 = arith.andi %add3A_211, %and3A_213 : vector<16x128xi32>
      %mul3A_215 = arith.constant 16843009 : i32
      %mul3A_216 = vector.broadcast %mul3A_215 : i32 to vector<16x128xi32>
      %mul3A_217 = arith.muli %and3A_214, %mul3A_216 : vector<16x128xi32>
      %shift_right_arithmetic3A_218 = arith.constant 24 : i32
      %shift_right_arithmetic3A_219 = vector.broadcast %shift_right_arithmetic3A_218 : i32 to vector<16x128xi32>
      %shift_right_arithmetic3A_220 = arith.shrsi %mul3A_217, %shift_right_arithmetic3A_219 : vector<16x128xi32>
      %get3A_221 = arith.constant 0 : index
      %get3A_222 = arith.constant 0 : index
      %get3A_223 = vector.load %arg6[%get3A_221, %get3A_222] : memref<16x128xi32, #tpu.memory_space<vmem>>, vector<16x128xi32>
      %and3A_224 = arith.andi %get3A_223, %select_n3A_188 : vector<16x128xi32>
      %shift_right_arithmetic3A_225 = arith.constant 1 : i32
      %shift_right_arithmetic3A_226 = vector.broadcast %shift_right_arithmetic3A_225 : i32 to vector<16x128xi32>
      %shift_right_arithmetic3A_227 = arith.shrsi %and3A_224, %shift_right_arithmetic3A_226 : vector<16x128xi32>
      %and3A_228 = arith.constant 1431655765 : i32
      %and3A_229 = vector.broadcast %and3A_228 : i32 to vector<16x128xi32>
      %and3A_230 = arith.andi %shift_right_arithmetic3A_227, %and3A_229 : vector<16x128xi32>
      %sub3A_231 = arith.subi %and3A_224, %and3A_230 : vector<16x128xi32>
      %and3A_232 = arith.constant 858993459 : i32
      %and3A_233 = vector.broadcast %and3A_232 : i32 to vector<16x128xi32>
      %and3A_234 = arith.andi %sub3A_231, %and3A_233 : vector<16x128xi32>
      %shift_right_arithmetic3A_235 = arith.constant 2 : i32
      %shift_right_arithmetic3A_236 = vector.broadcast %shift_right_arithmetic3A_235 : i32 to vector<16x128xi32>
      %shift_right_arithmetic3A_237 = arith.shrsi %sub3A_231, %shift_right_arithmetic3A_236 : vector<16x128xi32>
      %and3A_238 = arith.constant 858993459 : i32
      %and3A_239 = vector.broadcast %and3A_238 : i32 to vector<16x128xi32>
      %and3A_240 = arith.andi %shift_right_arithmetic3A_237, %and3A_239 : vector<16x128xi32>
      %add3A_241 = arith.addi %and3A_234, %and3A_240 : vector<16x128xi32>
      %shift_right_arithmetic3A_242 = arith.constant 4 : i32
      %shift_right_arithmetic3A_243 = vector.broadcast %shift_right_arithmetic3A_242 : i32 to vector<16x128xi32>
      %shift_right_arithmetic3A_244 = arith.shrsi %add3A_241, %shift_right_arithmetic3A_243 : vector<16x128xi32>
      %add3A_245 = arith.addi %add3A_241, %shift_right_arithmetic3A_244 : vector<16x128xi32>
      %and3A_246 = arith.constant 252645135 : i32
      %and3A_247 = vector.broadcast %and3A_246 : i32 to vector<16x128xi32>
      %and3A_248 = arith.andi %add3A_245, %and3A_247 : vector<16x128xi32>
      %mul3A_249 = arith.constant 16843009 : i32
      %mul3A_250 = vector.broadcast %mul3A_249 : i32 to vector<16x128xi32>
      %mul3A_251 = arith.muli %and3A_248, %mul3A_250 : vector<16x128xi32>
      %shift_right_arithmetic3A_252 = arith.constant 24 : i32
      %shift_right_arithmetic3A_253 = vector.broadcast %shift_right_arithmetic3A_252 : i32 to vector<16x128xi32>
      %shift_right_arithmetic3A_254 = arith.shrsi %mul3A_251, %shift_right_arithmetic3A_253 : vector<16x128xi32>
      %sub3A_255 = arith.subi %shift_right_arithmetic3A_220, %shift_right_arithmetic3A_254 : vector<16x128xi32>
      %slice3A_256 = vector.extract_strided_slice %sub3A_255 {offsets = [0, 0], sizes = [16, 64], strides = [1, 1]} : vector<16x128xi32> to vector<16x64xi32>
      %reduce_sum3A = arith.constant dense<0> : vector<16xi32>
      %reduce_sum3A_257 = vector.multi_reduction <add>, %slice3A_256, %reduce_sum3A [1] : vector<16x64xi32> to vector<16xi32>
      %broadcast_in_dim3A_258 = vector.shape_cast %reduce_sum3A_257 : vector<16xi32> to vector<16x1xi32>
      %slice3A_259 = vector.extract_strided_slice %sub3A_255 {offsets = [0, 64], sizes = [16, 64], strides = [1, 1]} : vector<16x128xi32> to vector<16x64xi32>
      %reduce_sum3A_260 = arith.constant dense<0> : vector<16xi32>
      %reduce_sum3A_261 = vector.multi_reduction <add>, %slice3A_259, %reduce_sum3A_260 [1] : vector<16x64xi32> to vector<16xi32>
      %broadcast_in_dim3A_262 = vector.shape_cast %reduce_sum3A_261 : vector<16xi32> to vector<16x1xi32>
      %concatenate3A_263 = tpu.concatenate %broadcast_in_dim3A_258, %broadcast_in_dim3A_262 in 0 : vector<16x1xi32>, vector<16x1xi32> -> vector<32x1xi32>
      %add3A_264 = arith.addi %get3A_161, %concatenate3A_263 : vector<32x1xi32>
      %convert_element_type3A_265 = arith.sitofp %add3A_264 : vector<32x1xi32> to vector<32x1xf32>
      %eq3A_266 = arith.constant 0 : i32
      %eq3A_267 = vector.broadcast %eq3A_266 : i32 to vector<32x1xi32>
      %eq3A_268 = arith.cmpi eq, %get3A_158, %eq3A_267 : vector<32x1xi32>
      %gt3A = arith.constant 0 : i32
      %gt3A_269 = vector.broadcast %gt3A : i32 to vector<32x1xi32>
      %gt3A_270 = arith.cmpi sgt, %get3A_161, %gt3A_269 : vector<32x1xi32>
      %convert_element_type3A_271 = arith.extui %gt3A_270 : vector<32x1xi1> to vector<32x1xi32>
      %convert_element_type3A_272 = arith.sitofp %convert_element_type3A_271 : vector<32x1xi32> to vector<32x1xf32>
      %max3A_273 = arith.constant 1 : i32
      %max3A_274 = vector.broadcast %max3A_273 : i32 to vector<32x1xi32>
      %max3A_275 = arith.maxsi %get3A_158, %max3A_274 : vector<32x1xi32>
      %convert_element_type3A_276 = arith.sitofp %max3A_275 : vector<32x1xi32> to vector<32x1xf32>
      %div3A = arith.divf %convert_element_type3A_265, %convert_element_type3A_276 : vector<32x1xf32>
      %select_n3A_277 = arith.select %eq3A_268, %convert_element_type3A_272, %div3A : vector<32x1xi1>, vector<32x1xf32>
      %swap3A_278 = arith.constant 0 : index
      %swap3A_279 = arith.constant 0 : index
      %swap3A_280 = vector.load %arg4[%swap3A_278, %swap3A_279] : memref<32x1xf32, #tpu.memory_space<vmem>>, vector<32x1xf32>
      tpu.vector_store %arg4[%swap3A_278, %swap3A_279], %select_n3A_277 {strides = array<i32>} : memref<32x1xf32, #tpu.memory_space<vmem>>, vector<32x1xf32>,
    } else {
    }
    return
  }
  func.func @transform_0(%arg0: i32) -> (i32, i32, i32) {
    %c0_i32 = arith.constant 0 : i32
    %c0_i32_0 = arith.constant 0 : i32
    %c0_i32_1 = arith.constant 0 : i32
    return %arg0, %c0_i32, %c0_i32_0 : i32, i32, i32
  }
  func.func @transform_1(%arg0: i32) -> (i32, i32) {
    %c0_i32 = arith.constant 0 : i32
    %c0_i32_0 = arith.constant 0 : i32
    %c0_i32_1 = arith.constant 0 : i32
    return %c0_i32, %c0_i32_0 : i32, i32
  }
  func.func @transform_2(%arg0: i32) -> (i32, i32) {
    %c0_i32 = arith.constant 0 : i32
    %c0_i32_0 = arith.constant 0 : i32
    %c0_i32_1 = arith.constant 0 : i32
    return %c0_i32, %c0_i32_0 : i32, i32
  }
  func.func @transform_3(%arg0: i32) -> (i32, i32) {
    %c0_i32 = arith.constant 0 : i32
    %c0_i32_0 = arith.constant 0 : i32
    %c0_i32_1 = arith.constant 0 : i32
    return %c0_i32, %c0_i32_0 : i32, i32
  }
}

module attributes {stable_mosaic.version = 14 : i64} {
  func.func @_combine_kernel(%arg0: memref<8x4xf32, #tpu.memory_space<vmem>>, %arg1: memref<8x4xf32, #tpu.memory_space<vmem>>, %arg2: memref<1x1xf32, #tpu.memory_space<vmem>>) attributes {dimension_semantics = [], scalar_prefetch = 0 : i64, scratch_operands = 0 : i64, tpu.core_type = #tpu.core_type<tc>} {
    %get3A = arith.constant 0 : index
    %get3A_0 = arith.constant 0 : index
    %get3A_1 = vector.load %arg0[%get3A, %get3A_0] : memref<8x4xf32, #tpu.memory_space<vmem>>, vector<8x4xf32>
    %get3A_2 = arith.constant 0 : index
    %get3A_3 = arith.constant 0 : index
    %get3A_4 = vector.load %arg1[%get3A_2, %get3A_3] : memref<8x4xf32, #tpu.memory_space<vmem>>, vector<8x4xf32>
    %reduce_sum3A = arith.constant dense<0.000000e+00> : vector<8xf32>
    %reduce_sum3A_5 = vector.multi_reduction <add>, %get3A_1, %reduce_sum3A [1] : vector<8x4xf32> to vector<8xf32>
    %broadcast_in_dim3A = vector.shape_cast %reduce_sum3A_5 : vector<8xf32> to vector<8x1xf32>
    %div3A = arith.constant 4.000000e+00 : f32
    %div3A_6 = vector.broadcast %div3A : f32 to vector<8x1xf32>
    %div3A_7 = arith.divf %broadcast_in_dim3A, %div3A_6 : vector<8x1xf32>
    %sub3A = vector.broadcast %div3A_7 : vector<8x1xf32> to vector<8x4xf32>
    %sub3A_8 = arith.subf %get3A_1, %sub3A : vector<8x4xf32>
    %reduce_max3A = arith.constant dense<0xFF800000> : vector<8xf32>
    %reduce_max3A_9 = vector.multi_reduction <maximumf>, %get3A_4, %reduce_max3A [1] : vector<8x4xf32> to vector<8xf32>
    %broadcast_in_dim3A_10 = vector.shape_cast %reduce_max3A_9 : vector<8xf32> to vector<8x1xf32>
    %sub3A_11 = vector.broadcast %broadcast_in_dim3A_10 : vector<8x1xf32> to vector<8x4xf32>
    %sub3A_12 = arith.subf %get3A_4, %sub3A_11 : vector<8x4xf32>
    %exp3A = math.exp %sub3A_12 : vector<8x4xf32>
    %reduce_sum3A_13 = arith.constant dense<0.000000e+00> : vector<8xf32>
    %reduce_sum3A_14 = vector.multi_reduction <add>, %exp3A, %reduce_sum3A_13 [1] : vector<8x4xf32> to vector<8xf32>
    %broadcast_in_dim3A_15 = vector.shape_cast %reduce_sum3A_14 : vector<8xf32> to vector<8x1xf32>
    %div3A_16 = vector.broadcast %broadcast_in_dim3A_15 : vector<8x1xf32> to vector<8x4xf32>
    %div3A_17 = arith.divf %exp3A, %div3A_16 : vector<8x4xf32>
    %mul3A = arith.mulf %sub3A_8, %div3A_17 : vector<8x4xf32>
    %reduce_sum3A_18 = arith.constant dense<0.000000e+00> : vector<8xf32>
    %reduce_sum3A_19 = vector.multi_reduction <add>, %mul3A, %reduce_sum3A_18 [1] : vector<8x4xf32> to vector<8xf32>
    %broadcast_in_dim3A_20 = vector.shape_cast %reduce_sum3A_19 : vector<8xf32> to vector<8x1xf32>
    %reduce_sum3A_21 = arith.constant dense<0.000000e+00> : vector<1xf32>
    %reduce_sum3A_22 = vector.multi_reduction <add>, %broadcast_in_dim3A_20, %reduce_sum3A_21 [0] : vector<8x1xf32> to vector<1xf32>
    %broadcast_in_dim3A_23 = vector.shape_cast %reduce_sum3A_22 : vector<1xf32> to vector<1x1xf32>
    %div3A_24 = arith.constant 3.200000e+01 : f32
    %div3A_25 = vector.broadcast %div3A_24 : f32 to vector<1x1xf32>
    %div3A_26 = arith.divf %broadcast_in_dim3A_23, %div3A_25 : vector<1x1xf32>
    %swap3A = arith.constant 0 : index
    %swap3A_27 = arith.constant 0 : index
    %swap3A_28 = vector.load %arg2[%swap3A, %swap3A_27] : memref<1x1xf32, #tpu.memory_space<vmem>>, vector<1x1xf32>
    tpu.vector_store %arg2[%swap3A, %swap3A_27], %div3A_26 {strides = array<i32>} : memref<1x1xf32, #tpu.memory_space<vmem>>, vector<1x1xf32>,
    return
  }
}

</mosaic_0001>

<sc_bundles>
// kernel: kernel.6.cloned.1.call-start
scs
__scs_entry_jumppad:
0x0: {  	(pc) =	sbr.rel $0x88, $3  }
0x1: {  	(tag) =	ssettag $0x0;
	lr =	simm.s32 $0x1  }
0x2: {  	[smem:$0x3F9E] =	sst lr;
	_ =	strace $0xD0000000  }
0x3: {  	_ = 	snop  }
0x4: {  	_ = 	snop  }
0x5: {  	_ = 	snop  }
0x6: {  	_ = 	snop  }
0x7: {  	_ = 	snop  }
__scs_overlays_trampoline_lowered:
0x8: {  	[smem:$0x3FAD] =	sst s0  }
0x9: {  	[smem:$0x3FAE] =	sst s1  }
0xa: {  	[smem:$0x3FAF] =	sst s2  }
0xb: {  	[smem:$0x3FB0] =	sst s3  }
0xc: {  	[smem:$0x3FB1] =	sst s4  }
0xd: {  	[smem:$0x3FB2] =	sst s5  }
0xe: {  	[smem:$0x3FB3] =	sst s6  }
0xf: {  	[smem:$0x3FB4] =	sst s7  }
0x10: {  	[smem:$0x3FB5] =	sst s8  }
0x11: {  	[smem:$0x3FB6] =	sst s9;
	s0 =	simm.s32 @!p0 $0x0  }
0x12: {  	s1 =	sld [smem:$0x3F9C];
	s0 =	simm.s32 @p0 $0x1  }
0x13: {  	[smem:$0x3FB7] =	sst s0;
	s0 =	simm.s32 @!p1 $0x0  }
0x14: {  	s2 =	sld [smem:$0x3F9B];
	s0 =	simm.s32 @p1 $0x1  }
0x15: {  	[smem:$0x3FB8] =	sst s0;
	s0 =	simm.s32 @!p2 $0x0  }
0x16: {  	s3 =	sld [smem:$0x3FDB];
	s0 =	simm.s32 @p2 $0x1  }
0x17: {  	s4 =	simm.s32 $0x1BF5;
	[smem:$0x3FBA] =	sst s0  }
0x18: {  	s0 =	sld [smem:$0x3F9D];
	_ =	swait.ge [sflag:s4], $0x0  }
0x19: {  	s7 =	sld [smem:$0x3F9E]  }
0x1a: {  	s8 =	sadd.s32 $0xFFFFE003, lr  }
0x1b: {  	s9 =	sadd.s32 $0xFFFFFEF7, lr;
	s5 =	simm.s32 $0xFFFFFFFF;
	p2 =	slt.u32 s8, $0xFFFFF086  }
0x1c: {  	p1 =	slt.u32 s9, $0xF7A;
	s5 =	simm.s32 @!p2 $0x0  }
0x1d: {  	s5 =	simm.s32 @p1 $0x1;
	p0 =	seq.s32 s7, s2  }
0x1e: {  	s7 =	smul.u32 @!p0 $0xF7A, s2;
	p2 =	seq.s32 @!p0 s5, $0x0  }
0x1f: {  	s9 =	smul.u32 $0xF7A, s1;
	s8 =	simm.s32 @!p0 $0x1BF5;
	p2 =	por !p2, p0  }
0x20: {  	[sflag:s8] =	ssyncset.s32 @!p0 $0xFFFFF086;
	s6 =	sadd.s32 @!p0 s3, s7;
	s7 =	simm.s32 @!p0 $0x108  }
0x21: {  	s3 =	sadd.s32 s3, s9;
	s6 =	sadd.s32 @!p0 $0x88, s6;
	s7 =	simm.s32 @p2 $0x1082  }
0x22: {  	[simem:s7], [sflag:s8] =	dma.local @!p0 [hbm:s6], $0xF7A  }
0x23: {  	s9 =	sor.u32 $0xD0000000, s2;
	s6 =	simm.s32 $0x108;
	_ =	swait.ge @!p0 [sflag:s8], $0x0  }
0x24: {  	s3 =	sadd.s32 $0x88, s3;
	s6 =	simm.s32 @!p1 $0x1082;
	[sflag:s4] =	ssyncset.s32 $0xFFFFF086  }
0x25: {  	[simem:s6], [sflag:s4] =	dma.local [hbm:s3], $0xF7A  }
0x26: {  	[smem:$0x3F9E] =	sst s1;
	(tag) =	ssettag s2;
	_ =	strace s9  }
0x27: {  	s1 =	sld [smem:$0x3FAE]  }
0x28: {  	s2 =	sld [smem:$0x3FAF]  }
0x29: {  	s4 =	sld [smem:$0x3FB1]  }
0x2a: {  	p0 =	seq.s32 s5, $0x0;
	s5 =	sld [smem:$0x3FB2]  }
0x2b: {  	s6 =	sld [smem:$0x3FB3]  }
0x2c: {  	s7 =	sld [smem:$0x3FB4]  }
0x2d: {  	s3 =	simm.s32 $0x108;
	s8 =	sld [smem:$0x3FB5]  }
0x2e: {  	s3 =	simm.s32 @!p0 $0x1082;
	s9 =	sld [smem:$0x3FB6]  }
0x2f: {  	lr =	sadd.s32 s0, s3;
	s0 =	sld [smem:$0x3FAD]  }
0x30: {  	s3 =	sld [smem:$0x3FB0]  }
0x31: {  	[smem:$0x3FB9] =	sst s10  }
0x32: {  	s10 =	sld [smem:$0x3FB7];
	_ =	sdelay $0x3  }
0x33: {  	p0 =	seq.s32 s10, $0x1;
	s10 =	sld [smem:$0x3FB9];
	_ =	sdelay $0x3  }
0x34: {  	[smem:$0x3FB9] =	sst s10  }
0x35: {  	s10 =	sld [smem:$0x3FB8];
	_ =	sdelay $0x3  }
0x36: {  	p1 =	seq.s32 s10, $0x1;
	s10 =	sld [smem:$0x3FB9];
	_ =	sdelay $0x3  }
0x37: {  	[smem:$0x3FB9] =	sst s10  }
0x38: {  	s10 =	sld [smem:$0x3FBA]  }
0x39: {  	_ = 	snop;
	(pc) =	sbr.ind lr, $3  }
0x3a: {  	_ = 	snop  }
0x3b: {  	_ = 	snop  }
0x3c: {  	p2 =	seq.s32 s10, $0x1;
	s10 =	sld [smem:$0x3FB9]  }
0x3d: {  	_ =	shalt  }
0x3e: {  	_ =	shalt  }
0x3f: {  	_ =	shalt  }
0x40: {  	_ =	shalt  }
0x41: {  	_ =	shalt  }
0x42: {  	_ =	shalt  }
0x43: {  	_ =	shalt  }
0x44: {  	_ =	shalt  }
0x45: {  	_ =	shalt  }
0x46: {  	_ =	shalt  }
0x47: {  	_ =	shalt  }
0x48: {  	_ =	shalt  }
0x49: {  	_ =	shalt  }
0x4a: {  	_ =	shalt  }
0x4b: {  	_ =	shalt  }
0x4c: {  	_ =	shalt  }
0x4d: {  	_ =	shalt  }
0x4e: {  	_ =	shalt  }
0x4f: {  	_ =	shalt  }
0x50: {  	_ =	shalt  }
0x51: {  	_ =	shalt  }
0x52: {  	_ =	shalt  }
0x53: {  	_ =	shalt  }
0x54: {  	_ =	shalt  }
0x55: {  	_ =	shalt  }
0x56: {  	_ =	shalt  }
0x57: {  	_ =	shalt  }
0x58: {  	_ =	shalt  }
0x59: {  	_ =	shalt  }
0x5a: {  	_ =	shalt  }
0x5b: {  	_ =	shalt  }
0x5c: {  	_ =	shalt  }
0x5d: {  	_ =	shalt  }
0x5e: {  	_ =	shalt  }
0x5f: {  	_ =	shalt  }
0x60: {  	_ =	shalt  }
0x61: {  	_ =	shalt  }
0x62: {  	_ =	shalt  }
0x63: {  	_ =	shalt  }
0x64: {  	_ =	shalt  }
0x65: {  	_ =	shalt  }
0x66: {  	_ =	shalt  }
0x67: {  	_ =	shalt  }
0x68: {  	_ =	shalt  }
0x69: {  	_ =	shalt  }
0x6a: {  	_ =	shalt  }
0x6b: {  	_ =	shalt  }
0x6c: {  	_ =	shalt  }
0x6d: {  	_ =	shalt  }
0x6e: {  	_ =	shalt  }
0x6f: {  	_ =	shalt  }
0x70: {  	_ =	shalt  }
0x71: {  	_ =	shalt  }
0x72: {  	_ =	shalt  }
0x73: {  	_ =	shalt  }
0x74: {  	_ =	shalt  }
0x75: {  	_ =	shalt  }
0x76: {  	_ =	shalt  }
0x77: {  	_ =	shalt  }
0x78: {  	_ =	shalt  }
0x79: {  	_ =	shalt  }
0x7a: {  	_ =	shalt  }
0x7b: {  	_ =	shalt  }
0x7c: {  	_ =	shalt  }
0x7d: {  	_ =	shalt  }
0x7e: {  	_ =	shalt  }
0x7f: {  	_ =	shalt  }
0x80: {  	_ =	shalt  }
0x81: {  	_ =	shalt  }
0x82: {  	_ =	shalt  }
0x83: {  	_ =	shalt  }
0x84: {  	_ =	shalt  }
0x85: {  	_ =	shalt  }
0x86: {  	_ =	shalt  }
0x87: {  	_ =	shalt  }
.Lfunc_end0:
.L_simem_size_0:
called_computation_lowered:
.L_overlay_start_0:
0x88: {  	s2 =	sld [smem:$0x3FD9]  }
0x89: {  	s3 =	sld [smem:$0x3FFE];
	_ =	sdelay $0x1  }
0x8a: {  	s1 =	srdreg.scid  }
0x8b: {  	s0 =	sand.u32 $0x1, s1  }
0x8c: {  	s16 =	sshll.u32 s0, $0xA;
	s2 =	sadd.s32 s3, s2  }
0x8d: {  	s2 =	sadd.s32 s2, s16  }
0x8e: {  	[smem:$0x3FC5] =	sst s2  }
0x8f: {  	_ = 	snop  }
0x90: {  	(tm) =	ssettm $0x1  }
0x91: {  	s17 =	sld [smem:$0x3FFB];
	_ =	sdelay $0x3  }
0x92: {  	_ =	strace s17  }
0x93: {  	s2 =	sld [smem:$0x3FFC];
	_ =	sdelay $0x3  }
0x94: {  	_ =	strace s2  }
0x95: {  	s2 =	sld [smem:$0x3FFD];
	_ =	sdelay $0x3  }
0x96: {  	_ =	strace s2  }
0x97: {  	_ =	strace $0x8FFFFFFF  }
0x98: {  	s18 =	sld [smem:$0x3FDB];
	_ =	sdelay $0x1  }
0x99: {  	s19 =	simm.s32 $_scs_section_size  }
0x9a: {  	s4 =	simm.s32 $_size__tile_overlayer_lowered;
	s5 =	simm.s32 $_tile_overlayer_lowered  }
0x9b: {  	s22 =	simm.s32 $0x1BFF;
	s21 =	sshll.u32 s5, $0x1;
	s2 =	sadd.s32 s19, s18  }
0x9c: {  	s6 =	simm.s32 $0x0;
	s20 =	sshll.u32 s4, $0x1;
	s4 =	sadd.s32 s21, s2  }
0x9d: {  	[timem:s6], [sflag:s22] =	dma.local [hbm:s4], s20  }
0x9e: {  	_ =	swait.ge [sflag:s22], s20  }
0x9f: {  	s3 =	ssub.s32 $0x0, s20;
	[sflag:s22] =	ssyncset.done $0x0  }
0xa0: {  	[sflag:s22] =	ssyncadd.s32 s3;
	_ =	sdelay $0x1  }
0xa1: {  	s23 =	simm.s32 $0x1B8B  }
0xa2: {  	_ =	swait.ge [sflag:s23], $0x1  }
0xa3: {  	[sflag:s23] =	ssyncset.done $0x0  }
0xa4: {  	s25 =	simm.s32 $0x1B8E;
	s24 =	sld [smem:$0x3FFE];
	[sflag:s23] =	ssyncadd.s32 $0xFFFFFFFF  }
0xa5: {  	s26 =	simm.s32 $execute0_lowered;
	[smem:$0x3FD2] =	sst s25  }
0xa6: {  	s4 =	sshll.u32 s26, $0x1;
	_ =	strace $0x80000046;
	[dreg:$0x1] =	wrdreg $0xFFFFFFFF  }
0xa7: {  	s28 =	simm.s32 $_size_execute0_lowered;
	s2 =	sadd.s32 s2, s4;
	[dreg:$0x0] =	wrdreg $0x0  }
0xa8: {  	s4 =	sshll.u32 s28, $0x1;
	[dreg:$0x2] =	wrdreg s2  }
0xa9: {  	[dreg:$0x3] =	wrdreg s4  }
0xaa: {  	[dreg:$0x4] =	wrdreg $0xC0  }
0xab: {  	_ =	task [dreg:s6], $0x5FFFF  }
0xac: {  	[dreg:$0x1] =	wrdreg $0xFFFFFFFF  }
0xad: {  	[dreg:$0x0] =	wrdreg $0x60  }
0xae: {  	[dreg:$0x2] =	wrdreg s24  }
0xaf: {  	[dreg:$0x3] =	wrdreg $0x9  }
0xb0: {  	_ =	task.clear_ibuf [dreg:s6], $0x4FFFF;
	_ =	strace $0x90000046  }
0xb1: {  	s29 =	simm.s32 $0x9;
	_ =	strace $0x80000048  }
0xb2: {  	_ =	swait.ge [sflag:s29], $0x1  }
0xb3: {  	[sflag:s29] =	ssyncadd.s32 $0xFFFFFFFF  }
0xb4: {  	_ =	strace $0x90000048  }
0xb5: {  	_ =	sfence  }
0xb6: {  	s30 =	sld [smem:$0x0];
	_ =	sdelay $0x2  }
0xb7: {  	s31 =	sshll.u32 s1, $0xD;
	s1 =	sshrl.u32 s1, $0x2  }
0xb8: {  	s3 =	sand.u32 $0x4000, s31;
	s1 =	sadd.s32 s1, s30  }
0xb9: {  	s0 =	sor.u32 s3, s0;
	s1 =	sshll.u32 s1, $0x11  }
0xba: {  	s0 =	sor.u32 s1, s0  }
0xbb: {  	s0 =	sadd.s32 $0x8F2B, s0  }
0xbc: {  	[sflag:s0] =	ssyncadd.remote.s32 $0x1  }
0xbd: {  	_ =	sfence.sel $0xFFFF  }
0xbe: {  	[dreg:$0x0] =	wrdreg $0xFFFFFFFF;
	(pc) =	sbr.abs _section_cstart, $3  }
0xbf: {  	[dreg:$0x1] =	wrdreg $0xFFFFFFFF  }
0xc0: {  	_ =	task.clear_ibuf [dreg:s6], $0x2FFFF;
	_ =	strace $0x9FFFFFFF  }
0xc1: {  	(tm) =	ssettm $0x7FFFFFFF  }
tec
execute0_lowered:
.L_overlay_start_1:
0x0: {  	(tag) =	ssettag $0x1  }
0x1: {  	s1 =	stileid.u32  }
0x2: {  	p0 =	sgt.u32 s1, $0x3  }
.Ltmp0:
0x3: {  	_ = 	snop;
	(pc) =	sbr.rel @p0 .LBB2_5-.Ltmp0, $4  }
0x4: {  	_ = 	snop  }
0x5: {  	s4 =	rddreg [dreg:$0x0];
	s2 =	simm.s32 $0x0  }
0x6: {  	[smem:$0x7FF] =	sst s2  }
0x7: {  	s0 =	rddreg [dreg:$0x1];
	_ =	strace $0x80000047  }
0x8: {  	s3 =	srdreg.scid  }
0x9: {  	s5 =	sshll.u32 s1, $0x1;
	s3 =	sand.u32 $0x1, s3  }
0xa: {  	s9 =	simm.s32 $0x0;
	s5 =	sor.u32 s3, s5;
	s7 =	ssub.s32 $0x2, s3  }
0xb: {  	s6 =	sshll.u32 s5, $0x8;
	s5 =	smul.u32 $0x1F40, s5;
	s8 =	sshrl.u32 s7, $0x1  }
0xc: {  	s3 =	sadd.s32 $0x1200, s4;
	s6 =	sadd.s32 s6, s4;
	s7 =	ssub.s32 s7, s8  }
0xd: {  	v0 =	vlaneseq.u32;
	s8 =	simm.s32 $0xFA00;
	s5 =	sadd.s32 s5, s4;
	s4 =	sadd.s32 $0xA00, s6  }
0xe: {  	v1 =	vimm.s32 $0x1;
	v2 =	vand.u32 $0x7, v0;
	s6 =	smax.u32 s7, $0x1;
	s7 =	simm.s32 $0x1;
	s5 =	sadd.s32 $0x3200, s5  }
.LBB2_2:
0xf: {  	s11 =	simm.s32 $0x0;
	s10 =	simm.s32 $0x0  }
0x10: {  	[tilespmem:s11], [sflag:$0x1] =	stream.linear.gather [hbm4b:s3+s11], $0xFA00, $0x38;
	[tilespmem:$0x10200] =	vst v63  }
0x11: {  	s10 =	sand.u32 $0x30, s10  }
0x12: {  	_ =	swait.ge [sflag:s7], $0xFA00;
	v3 =	vor.u32 s10, v0  }
0x13: {  	s10 =	sand.u32 $0x1F, s11;
	[sflag:s7] =	ssyncset.done $0x0;
	v4 =	vshll.u32 v3, $0x5  }
0x14: {  	[sflag:s7] =	ssyncadd.s32 $0xFFFF0600;
	v4 =	vor.u32 s10, v4  }
0x15: {  	[tilespmem:s8], [sflag:$0x1] =	stream.linear.gather [hbm4b:s4+s11], $0x800, $0x38;
	[tilespmem:$0x10200] =	vst v63  }
0x16: {  	_ =	swait.ge [sflag:s7], $0x800  }
0x17: {  	[sflag:s7] =	ssyncset.done $0x0  }
0x18: {  	[sflag:s7] =	ssyncadd.s32 $0xFFFFF800  }
0x19: {  	v4 =	vld.idx.msk [tilespmem:v4+s8+$0x0], $0xffff;
	_ =	sdelay $0x3  }
0x1a: {  	s13 =	simm.s32 $0x0;
	s12 =	simm.s32 $0x2;
	s11 =	simm.s32 $0x1  }
.LBB2_3:
0x1b: {  	p0 =	sne.s32 s12, $0x7F;
	s13 =	sand.u32 $0x30, s13;
	v5 =	vand.u32 $0x38, v3;
	v4 =	vshll.u32 v4, $0x6  }
0x1c: {  	v3 =	vor.u32 s13, v0;
	v4 =	vor.u32 v5, v4  }
0x1d: {  	s13 =	sand.u32 $0x1F, s11;
	s11 =	smov.u32 s12;
	v5 =	vshll.u32 v3, $0x5;
	v4 =	vor.u32 v2, v4  }
0x1e: {  	v5 =	vor.u32 s13, v5;
	_ =	sdelay $0x2  }
0x1f: {  	v6 =	vshll.u32 v1, s10;
	s10 =	smov.u32 s13  }
0x20: {  	[tilespmem:v4+s2+$0x0] =	vst.idx.add.s32.msk $0xffff, v6  }
0x21: {  	v4 =	vld.idx.msk [tilespmem:v5+s8+$0x0], $0xffff  }
.Ltmp1:
0x22: {  	(pc) =	sbr.rel @p0 .LBB2_3-.Ltmp1, $2  }
0x23: {  	_ =	sdelay $0x2  }
0x24: {  	s12 =	sadd.s32 $0x1, s12;
	s13 =	sshrl.u32 s11, $0x1  }
0x25: {  	s12 =	sand.u32 $0x30, s13;
	v3 =	vand.u32 $0x38, v3;
	v4 =	vshll.u32 v4, $0x6  }
0x26: {  	v5 =	vor.u32 s12, v0;
	v3 =	vor.u32 v3, v4  }
0x27: {  	s11 =	sand.u32 $0x1F, s11;
	v61 =	vshll.u32 v5, $0x5;
	v3 =	vor.u32 v2, v3  }
0x28: {  	v4 =	vor.u32 s11, v61;
	_ =	sdelay $0x2  }
0x29: {  	v6 =	vshll.u32 v1, s10  }
0x2a: {  	[tilespmem:v3+s2+$0x0] =	vst.idx.add.s32.msk $0xffff, v6  }
0x2b: {  	v3 =	vld.idx.msk [tilespmem:v4+s8+$0x0], $0xffff;
	_ =	sdelay $0x4  }
0x2c: {  	v62 =	vand.u32 $0x38, v5;
	v3 =	vshll.u32 v3, $0x6  }
0x2d: {  	v3 =	vor.u32 v62, v3  }
0x2e: {  	v3 =	vor.u32 v2, v3;
	_ =	sdelay $0x2  }
0x2f: {  	s9 =	sadd.s32 $0x1, s9  }
0x30: {  	v63 =	vshll.u32 v1, s11;
	p0 =	sne.s32 s9, s6  }
.Ltmp2:
0x31: {  	[tilespmem:v3+s2+$0x0] =	vst.idx.add.s32.msk $0xffff, v63;
	(pc) =	sbr.rel @p0 .LBB2_2-.Ltmp2, $4  }
0x32: {  	[hbm4b:s5+s2] =	stream.linear.scatter [tilespmem:s2], [sflag:$0x1], $0xFA00, $0x38;
	[tilespmem:$0x10200] =	vst v63  }
0x33: {  	_ =	swait.ge [sflag:s7], $0xFA00  }
0x34: {  	[sflag:s7] =	ssyncset.done $0x0  }
0x35: {  	[sflag:s7] =	ssyncadd.s32 $0xFFFF0600  }
.LBB2_5:
0x36: {  	_ =	sfence.sel $0x180000  }
0x37: {  	[bflag:$0x0] =	sbarrier.arrive $0xFFFF  }
0x38: {  	p0 =	sne.s32 s1, $0x0;
	_ =	strace $0x90000047  }
0x39: {  	s0 =	sadd.s32 @!p0 $0x100000, s0;
	[bflag:$0x2] =	sbarrier.arrive $0xFFFF  }
0x3a: {  	[sflag:s0] =	ssyncadd.tile.s32 @!p0 $0x1;
	_ =	shalt  }
.Lfunc_end2:
_tile_overlayer_lowered:
.L_overlay_start_2:
0x3b: {  	(tag) =	ssettag $0x2  }
0x3c: {  	s0 =	rddreg [dreg:$0x0];
	s2 =	stileid.u32  }
0x3d: {  	s1 =	rddreg [dreg:$0x1];
	p0 =	sne.s32 s2, $0x0  }
0x3e: {  	s3 =	rddreg [dreg:$0x2];
	[bflag:$0x3] =	sbarrier.arrive $0xFFFF;
	s2 =	simm.s32 @!p0 $0x1C01  }
0x3f: {  	[timem:s3], [sflag:s2] =	dma.local @!p0 [hbm:s0], s1  }
0x40: {  	s0 =	simm.s32 @!p0 $0x1  }
0x41: {  	_ =	swait.ge @!p0 [sflag:s0], s1  }
0x42: {  	s1 =	ssub.s32 @!p0 $0x0, s1;
	[sflag:s0] =	ssyncset.done @!p0 $0x0  }
0x43: {  	[sflag:s0] =	ssyncadd.s32 @!p0 s1  }
0x44: {  	[bflag:$0x3] =	sbarrier.arrive $0xFFFF  }
0x45: {  	_ =	shalt  }

// kernel: kernel.9.cloned.1.call-start
scs
__scs_entry_jumppad:
0x0: {  	(pc) =	sbr.rel $0x88, $3  }
0x1: {  	(tag) =	ssettag $0x0;
	lr =	simm.s32 $0x1  }
0x2: {  	[smem:$0x3F9E] =	sst lr;
	_ =	strace $0xD0000000  }
0x3: {  	_ = 	snop  }
0x4: {  	_ = 	snop  }
0x5: {  	_ = 	snop  }
0x6: {  	_ = 	snop  }
0x7: {  	_ = 	snop  }
__scs_overlays_trampoline_lowered:
0x8: {  	[smem:$0x3FAD] =	sst s0  }
0x9: {  	[smem:$0x3FAE] =	sst s1  }
0xa: {  	[smem:$0x3FAF] =	sst s2  }
0xb: {  	[smem:$0x3FB0] =	sst s3  }
0xc: {  	[smem:$0x3FB1] =	sst s4  }
0xd: {  	[smem:$0x3FB2] =	sst s5  }
0xe: {  	[smem:$0x3FB3] =	sst s6  }
0xf: {  	[smem:$0x3FB4] =	sst s7  }
0x10: {  	[smem:$0x3FB5] =	sst s8  }
0x11: {  	[smem:$0x3FB6] =	sst s9;
	s0 =	simm.s32 @!p0 $0x0  }
0x12: {  	s1 =	sld [smem:$0x3F9C];
	s0 =	simm.s32 @p0 $0x1  }
0x13: {  	[smem:$0x3FB7] =	sst s0;
	s0 =	simm.s32 @!p1 $0x0  }
0x14: {  	s2 =	sld [smem:$0x3F9B];
	s0 =	simm.s32 @p1 $0x1  }
0x15: {  	[smem:$0x3FB8] =	sst s0;
	s0 =	simm.s32 @!p2 $0x0  }
0x16: {  	s3 =	sld [smem:$0x3FDB];
	s0 =	simm.s32 @p2 $0x1  }
0x17: {  	s4 =	simm.s32 $0x1BF5;
	[smem:$0x3FBA] =	sst s0  }
0x18: {  	s0 =	sld [smem:$0x3F9D];
	_ =	swait.ge [sflag:s4], $0x0  }
0x19: {  	s7 =	sld [smem:$0x3F9E]  }
0x1a: {  	s8 =	sadd.s32 $0xFFFFE003, lr  }
0x1b: {  	s9 =	sadd.s32 $0xFFFFFEF7, lr;
	s5 =	simm.s32 $0xFFFFFFFF;
	p2 =	slt.u32 s8, $0xFFFFF086  }
0x1c: {  	p1 =	slt.u32 s9, $0xF7A;
	s5 =	simm.s32 @!p2 $0x0  }
0x1d: {  	s5 =	simm.s32 @p1 $0x1;
	p0 =	seq.s32 s7, s2  }
0x1e: {  	s7 =	smul.u32 @!p0 $0xF7A, s2;
	p2 =	seq.s32 @!p0 s5, $0x0  }
0x1f: {  	s9 =	smul.u32 $0xF7A, s1;
	s8 =	simm.s32 @!p0 $0x1BF5;
	p2 =	por !p2, p0  }
0x20: {  	[sflag:s8] =	ssyncset.s32 @!p0 $0xFFFFF086;
	s6 =	sadd.s32 @!p0 s3, s7;
	s7 =	simm.s32 @!p0 $0x108  }
0x21: {  	s3 =	sadd.s32 s3, s9;
	s6 =	sadd.s32 @!p0 $0x88, s6;
	s7 =	simm.s32 @p2 $0x1082  }
0x22: {  	[simem:s7], [sflag:s8] =	dma.local @!p0 [hbm:s6], $0xF7A  }
0x23: {  	s9 =	sor.u32 $0xD0000000, s2;
	s6 =	simm.s32 $0x108;
	_ =	swait.ge @!p0 [sflag:s8], $0x0  }
0x24: {  	s3 =	sadd.s32 $0x88, s3;
	s6 =	simm.s32 @!p1 $0x1082;
	[sflag:s4] =	ssyncset.s32 $0xFFFFF086  }
0x25: {  	[simem:s6], [sflag:s4] =	dma.local [hbm:s3], $0xF7A  }
0x26: {  	[smem:$0x3F9E] =	sst s1;
	(tag) =	ssettag s2;
	_ =	strace s9  }
0x27: {  	s1 =	sld [smem:$0x3FAE]  }
0x28: {  	s2 =	sld [smem:$0x3FAF]  }
0x29: {  	s4 =	sld [smem:$0x3FB1]  }
0x2a: {  	p0 =	seq.s32 s5, $0x0;
	s5 =	sld [smem:$0x3FB2]  }
0x2b: {  	s6 =	sld [smem:$0x3FB3]  }
0x2c: {  	s7 =	sld [smem:$0x3FB4]  }
0x2d: {  	s3 =	simm.s32 $0x108;
	s8 =	sld [smem:$0x3FB5]  }
0x2e: {  	s3 =	simm.s32 @!p0 $0x1082;
	s9 =	sld [smem:$0x3FB6]  }
0x2f: {  	lr =	sadd.s32 s0, s3;
	s0 =	sld [smem:$0x3FAD]  }
0x30: {  	s3 =	sld [smem:$0x3FB0]  }
0x31: {  	[smem:$0x3FB9] =	sst s10  }
0x32: {  	s10 =	sld [smem:$0x3FB7];
	_ =	sdelay $0x3  }
0x33: {  	p0 =	seq.s32 s10, $0x1;
	s10 =	sld [smem:$0x3FB9];
	_ =	sdelay $0x3  }
0x34: {  	[smem:$0x3FB9] =	sst s10  }
0x35: {  	s10 =	sld [smem:$0x3FB8];
	_ =	sdelay $0x3  }
0x36: {  	p1 =	seq.s32 s10, $0x1;
	s10 =	sld [smem:$0x3FB9];
	_ =	sdelay $0x3  }
0x37: {  	[smem:$0x3FB9] =	sst s10  }
0x38: {  	s10 =	sld [smem:$0x3FBA]  }
0x39: {  	_ = 	snop;
	(pc) =	sbr.ind lr, $3  }
0x3a: {  	_ = 	snop  }
0x3b: {  	_ = 	snop  }
0x3c: {  	p2 =	seq.s32 s10, $0x1;
	s10 =	sld [smem:$0x3FB9]  }
0x3d: {  	_ =	shalt  }
0x3e: {  	_ =	shalt  }
0x3f: {  	_ =	shalt  }
0x40: {  	_ =	shalt  }
0x41: {  	_ =	shalt  }
0x42: {  	_ =	shalt  }
0x43: {  	_ =	shalt  }
0x44: {  	_ =	shalt  }
0x45: {  	_ =	shalt  }
0x46: {  	_ =	shalt  }
0x47: {  	_ =	shalt  }
0x48: {  	_ =	shalt  }
0x49: {  	_ =	shalt  }
0x4a: {  	_ =	shalt  }
0x4b: {  	_ =	shalt  }
0x4c: {  	_ =	shalt  }
0x4d: {  	_ =	shalt  }
0x4e: {  	_ =	shalt  }
0x4f: {  	_ =	shalt  }
0x50: {  	_ =	shalt  }
0x51: {  	_ =	shalt  }
0x52: {  	_ =	shalt  }
0x53: {  	_ =	shalt  }
0x54: {  	_ =	shalt  }
0x55: {  	_ =	shalt  }
0x56: {  	_ =	shalt  }
0x57: {  	_ =	shalt  }
0x58: {  	_ =	shalt  }
0x59: {  	_ =	shalt  }
0x5a: {  	_ =	shalt  }
0x5b: {  	_ =	shalt  }
0x5c: {  	_ =	shalt  }
0x5d: {  	_ =	shalt  }
0x5e: {  	_ =	shalt  }
0x5f: {  	_ =	shalt  }
0x60: {  	_ =	shalt  }
0x61: {  	_ =	shalt  }
0x62: {  	_ =	shalt  }
0x63: {  	_ =	shalt  }
0x64: {  	_ =	shalt  }
0x65: {  	_ =	shalt  }
0x66: {  	_ =	shalt  }
0x67: {  	_ =	shalt  }
0x68: {  	_ =	shalt  }
0x69: {  	_ =	shalt  }
0x6a: {  	_ =	shalt  }
0x6b: {  	_ =	shalt  }
0x6c: {  	_ =	shalt  }
0x6d: {  	_ =	shalt  }
0x6e: {  	_ =	shalt  }
0x6f: {  	_ =	shalt  }
0x70: {  	_ =	shalt  }
0x71: {  	_ =	shalt  }
0x72: {  	_ =	shalt  }
0x73: {  	_ =	shalt  }
0x74: {  	_ =	shalt  }
0x75: {  	_ =	shalt  }
0x76: {  	_ =	shalt  }
0x77: {  	_ =	shalt  }
0x78: {  	_ =	shalt  }
0x79: {  	_ =	shalt  }
0x7a: {  	_ =	shalt  }
0x7b: {  	_ =	shalt  }
0x7c: {  	_ =	shalt  }
0x7d: {  	_ =	shalt  }
0x7e: {  	_ =	shalt  }
0x7f: {  	_ =	shalt  }
0x80: {  	_ =	shalt  }
0x81: {  	_ =	shalt  }
0x82: {  	_ =	shalt  }
0x83: {  	_ =	shalt  }
0x84: {  	_ =	shalt  }
0x85: {  	_ =	shalt  }
0x86: {  	_ =	shalt  }
0x87: {  	_ =	shalt  }
.Lfunc_end0:
.L_simem_size_0:
called_computation.1_lowered:
.L_overlay_start_0:
0x88: {  	s2 =	sld [smem:$0x3FD9]  }
0x89: {  	s3 =	sld [smem:$0x3FFE];
	_ =	sdelay $0x1  }
0x8a: {  	s1 =	srdreg.scid  }
0x8b: {  	s0 =	sand.u32 $0x1, s1  }
0x8c: {  	s16 =	sshll.u32 s0, $0xA;
	s2 =	sadd.s32 s3, s2  }
0x8d: {  	s2 =	sadd.s32 s2, s16  }
0x8e: {  	[smem:$0x3FC5] =	sst s2  }
0x8f: {  	_ = 	snop  }
0x90: {  	(tm) =	ssettm $0x1  }
0x91: {  	s17 =	sld [smem:$0x3FFB];
	_ =	sdelay $0x3  }
0x92: {  	_ =	strace s17  }
0x93: {  	s2 =	sld [smem:$0x3FFC];
	_ =	sdelay $0x3  }
0x94: {  	_ =	strace s2  }
0x95: {  	s2 =	sld [smem:$0x3FFD];
	_ =	sdelay $0x3  }
0x96: {  	_ =	strace s2  }
0x97: {  	_ =	strace $0x8FFFFFFF  }
0x98: {  	s18 =	sld [smem:$0x3FDB];
	_ =	sdelay $0x1  }
0x99: {  	s19 =	simm.s32 $_scs_section_size  }
0x9a: {  	s4 =	simm.s32 $_size__tile_overlayer_lowered;
	s5 =	simm.s32 $_tile_overlayer_lowered  }
0x9b: {  	s22 =	simm.s32 $0x1BFF;
	s21 =	sshll.u32 s5, $0x1;
	s2 =	sadd.s32 s19, s18  }
0x9c: {  	s6 =	simm.s32 $0x0;
	s20 =	sshll.u32 s4, $0x1;
	s4 =	sadd.s32 s21, s2  }
0x9d: {  	[timem:s6], [sflag:s22] =	dma.local [hbm:s4], s20  }
0x9e: {  	_ =	swait.ge [sflag:s22], s20  }
0x9f: {  	s3 =	ssub.s32 $0x0, s20;
	[sflag:s22] =	ssyncset.done $0x0  }
0xa0: {  	[sflag:s22] =	ssyncadd.s32 s3;
	_ =	sdelay $0x1  }
0xa1: {  	s23 =	simm.s32 $0x1B8B  }
0xa2: {  	_ =	swait.ge [sflag:s23], $0x1  }
0xa3: {  	[sflag:s23] =	ssyncset.done $0x0  }
0xa4: {  	s25 =	simm.s32 $0x1B8E;
	s24 =	sld [smem:$0x3FFE];
	[sflag:s23] =	ssyncadd.s32 $0xFFFFFFFF  }
0xa5: {  	s26 =	simm.s32 $execute0_lowered;
	[smem:$0x3FD2] =	sst s25  }
0xa6: {  	s4 =	sshll.u32 s26, $0x1;
	_ =	strace $0x80000049;
	[dreg:$0x1] =	wrdreg $0xFFFFFFFF  }
0xa7: {  	s28 =	simm.s32 $_size_execute0_lowered;
	s2 =	sadd.s32 s2, s4;
	[dreg:$0x0] =	wrdreg $0x0  }
0xa8: {  	s4 =	sshll.u32 s28, $0x1;
	[dreg:$0x2] =	wrdreg s2  }
0xa9: {  	[dreg:$0x3] =	wrdreg s4  }
0xaa: {  	[dreg:$0x4] =	wrdreg $0xC0  }
0xab: {  	_ =	task [dreg:s6], $0x5FFFF  }
0xac: {  	[dreg:$0x1] =	wrdreg $0xFFFFFFFF  }
0xad: {  	[dreg:$0x0] =	wrdreg $0x60  }
0xae: {  	[dreg:$0x2] =	wrdreg s24  }
0xaf: {  	[dreg:$0x3] =	wrdreg $0x9  }
0xb0: {  	_ =	task.clear_ibuf [dreg:s6], $0x4FFFF;
	_ =	strace $0x90000049  }
0xb1: {  	s29 =	simm.s32 $0x9;
	_ =	strace $0x8000004B  }
0xb2: {  	_ =	swait.ge [sflag:s29], $0x1  }
0xb3: {  	[sflag:s29] =	ssyncadd.s32 $0xFFFFFFFF  }
0xb4: {  	_ =	strace $0x9000004B  }
0xb5: {  	_ =	sfence  }
0xb6: {  	s30 =	sld [smem:$0x0];
	_ =	sdelay $0x2  }
0xb7: {  	s31 =	sshll.u32 s1, $0xD;
	s1 =	sshrl.u32 s1, $0x2  }
0xb8: {  	s3 =	sand.u32 $0x4000, s31;
	s1 =	sadd.s32 s1, s30  }
0xb9: {  	s0 =	sor.u32 s3, s0;
	s1 =	sshll.u32 s1, $0x11  }
0xba: {  	s0 =	sor.u32 s1, s0  }
0xbb: {  	s0 =	sadd.s32 $0x8F2B, s0  }
0xbc: {  	[sflag:s0] =	ssyncadd.remote.s32 $0x1  }
0xbd: {  	_ =	sfence.sel $0xFFFF  }
0xbe: {  	[dreg:$0x0] =	wrdreg $0xFFFFFFFF;
	(pc) =	sbr.abs _section_cstart, $3  }
0xbf: {  	[dreg:$0x1] =	wrdreg $0xFFFFFFFF  }
0xc0: {  	_ =	task.clear_ibuf [dreg:s6], $0x2FFFF;
	_ =	strace $0x9FFFFFFF  }
0xc1: {  	(tm) =	ssettm $0x7FFFFFFF  }
tec
execute0_lowered:
.L_overlay_start_1:
0x0: {  	(tag) =	ssettag $0x1  }
0x1: {  	s4 =	rddreg [dreg:$0x0]  }
0x2: {  	s0 =	rddreg [dreg:$0x1];
	s1 =	simm.s32 $0x0  }
0x3: {  	s5 =	srdreg.scid;
	s2 =	stileid.u32;
	s11 =	simm.s32 $0x0  }
0x4: {  	[smem:$0x7FF] =	sst s1;
	s3 =	sadd.s32 $0x3200, s4;
	s5 =	sand.u32 $0x1, s5  }
0x5: {  	s6 =	sshll.u32 s2, $0x9;
	s7 =	sshll.u32 s2, $0xF;
	s29 =	sshrl.u32 s2, $0x1  }
0x6: {  	_ =	strace $0x8000004A;
	s8 =	ssub.s32 $0x2, s5;
	s6 =	sadd.s32 s6, s4  }
0x7: {  	s4 =	sadd.s32 s7, s4;
	s9 =	sshll.u32 s5, $0xE;
	s10 =	smul.u32 $0x3E8, s29  }
0x8: {  	s31 =	sshll.u32 s5, $0x8;
	s28 =	sshrl.u32 s8, $0x1;
	s30 =	sadd.s32 s9, s4  }
0x9: {  	s6 =	sadd.s32 s31, s6;
	s9 =	simm.s32 $0x100;
	s7 =	ssub.s32 s8, s28  }
0xa: {  	s5 =	sadd.s32 $0x14C00, s30;
	s6 =	sadd.s32 $0x12C00, s6;
	s8 =	simm.s32 $0x80  }
0xb: {  	v0 =	vmov s10;
	s10 =	simm.s32 $0x1;
	s4 =	smax.u32 s7, $0x1;
	s7 =	simm.s32 $0x2  }
.LBB2_1:
0xc: {  	s12 =	sadd.s32 $0x0, s6  }
0xd: {  	[tilespmem:s1], [sflag:$0x2] =	stream.linear.gather [hbm4b:s12+s1], $0x80, $0x38;
	[tilespmem:$0x2100] =	vst v63  }
0xe: {  	_ =	swait.ge [sflag:s7], $0x80  }
0xf: {  	[sflag:s7] =	ssyncset.done $0x0  }
0x10: {  	[sflag:s7] =	ssyncadd.s32 $0xFFFFFF80  }
0x11: {  	v1 =	vld [tilespmem:$0x70]  }
0x12: {  	v2 =	vld [tilespmem:$0x60]  }
0x13: {  	v3 =	vld [tilespmem:$0x50]  }
0x14: {  	v4 =	vld [tilespmem:$0x40]  }
0x15: {  	v5 =	vld [tilespmem:$0x30]  }
0x16: {  	v6 =	vld [tilespmem:$0x20];
	v1 =	vadd.s32 v0, v1  }
0x17: {  	v7 =	vld [tilespmem:$0x10];
	v2 =	vadd.s32 v0, v2;
	[tilespmem:$0xF0] =	vst v1  }
0x18: {  	v3 =	vadd.s32 v0, v3;
	v1 =	vld [tilespmem:$0x0];
	[tilespmem:$0xE0] =	vst v2  }
0x19: {  	v2 =	vadd.s32 v0, v4;
	[tilespmem:$0xD0] =	vst v3  }
0x1a: {  	v3 =	vadd.s32 v0, v5;
	[tilespmem:$0xC0] =	vst v2  }
0x1b: {  	v2 =	vadd.s32 v0, v6;
	[tilespmem:$0xB0] =	vst v3  }
0x1c: {  	v3 =	vadd.s32 v0, v7;
	[tilespmem:$0xA0] =	vst v2  }
0x1d: {  	[tilespmem:$0x90] =	vst v3;
	v1 =	vadd.s32 v0, v1  }
0x1e: {  	s14 =	sadd.s32 $0x400, s5;
	s13 =	smov.u32 s5;
	s12 =	simm.s32 $0x10;
	[tilespmem:$0x80] =	vst v1  }
.LBB2_2:
0x1f: {  	[tilespmem:s9], [sflag:$0x1] =	stream.indirect.gather [hbm4b:s3+s8], $0x40, s8, s8, $0xb8;
	[tilespmem:$0x2100] =	vst v63  }
0x20: {  	s15 =	smov.u32 s12  }
0x21: {  	p0 =	sne.s32 s12, $0xF0;
	s12 =	sadd.s32 $0x10, s12;
	_ =	swait.ge [sflag:s10], $0x2000  }
0x22: {  	[sflag:s10] =	ssyncset.done $0x0  }
0x23: {  	[sflag:s10] =	ssyncadd.s32 $0xFFFFE000  }
0x24: {  	[hbm4b:s13+s1] =	stream.linear.scatter [tilespmem:s9], [sflag:$0x2], $0x2000, $0x38;
	[tilespmem:$0x2100] =	vst v63  }
0x25: {  	s13 =	smov.u32 s14;
	_ =	swait.ge [sflag:s7], $0x2000  }
0x26: {  	[sflag:s7] =	ssyncset.done $0x0  }
0x27: {  	s15 =	sadd.s32 s15, s6;
	[sflag:s7] =	ssyncadd.s32 $0xFFFFE000  }
0x28: {  	[tilespmem:s1], [sflag:$0x2] =	stream.linear.gather [hbm4b:s15+s1], $0x80, $0x38;
	[tilespmem:$0x2100] =	vst v63  }
0x29: {  	_ =	swait.ge [sflag:s7], $0x80  }
0x2a: {  	[sflag:s7] =	ssyncset.done $0x0  }
0x2b: {  	[sflag:s7] =	ssyncadd.s32 $0xFFFFFF80  }
0x2c: {  	v1 =	vld [tilespmem:$0x70]  }
0x2d: {  	v2 =	vld [tilespmem:$0x60]  }
0x2e: {  	v3 =	vld [tilespmem:$0x50]  }
0x2f: {  	v4 =	vld [tilespmem:$0x40]  }
0x30: {  	v5 =	vld [tilespmem:$0x30]  }
0x31: {  	v6 =	vld [tilespmem:$0x20];
	v1 =	vadd.s32 v0, v1  }
0x32: {  	v7 =	vld [tilespmem:$0x10];
	v2 =	vadd.s32 v0, v2;
	[tilespmem:$0xF0] =	vst v1  }
0x33: {  	v1 =	vld [tilespmem:$0x0];
	v3 =	vadd.s32 v0, v3;
	[tilespmem:$0xE0] =	vst v2  }
0x34: {  	v2 =	vadd.s32 v0, v4;
	[tilespmem:$0xD0] =	vst v3  }
.Ltmp0:
0x35: {  	v3 =	vadd.s32 v0, v5;
	[tilespmem:$0xC0] =	vst v2;
	(pc) =	sbr.rel @p0 .LBB2_2-.Ltmp0, $4  }
0x36: {  	v2 =	vadd.s32 v0, v6;
	[tilespmem:$0xB0] =	vst v3  }
0x37: {  	v3 =	vadd.s32 v0, v7;
	[tilespmem:$0xA0] =	vst v2  }
0x38: {  	v1 =	vadd.s32 v0, v1;
	[tilespmem:$0x90] =	vst v3  }
0x39: {  	s14 =	sadd.s32 $0x400, s14;
	[tilespmem:$0x80] =	vst v1  }
0x3a: {  	[tilespmem:s9], [sflag:$0x1] =	stream.indirect.gather [hbm4b:s3+s8], $0x40, s8, s8, $0xb8;
	[tilespmem:$0x2100] =	vst v63  }
0x3b: {  	s11 =	sadd.s32 $0x1, s11;
	_ =	swait.ge [sflag:s10], $0x2000  }
0x3c: {  	p0 =	sne.s32 s11, s4;
	[sflag:s10] =	ssyncset.done $0x0  }
.Ltmp1:
0x3d: {  	[sflag:s10] =	ssyncadd.s32 $0xFFFFE000;
	(pc) =	sbr.rel @p0 .LBB2_1-.Ltmp1, $4  }
0x3e: {  	[hbm4b:s13+s1] =	stream.linear.scatter [tilespmem:s9], [sflag:$0x2], $0x2000, $0x38;
	[tilespmem:$0x2100] =	vst v63  }
0x3f: {  	_ =	swait.ge [sflag:s7], $0x2000  }
0x40: {  	[sflag:s7] =	ssyncset.done $0x0  }
0x41: {  	[sflag:s7] =	ssyncadd.s32 $0xFFFFE000  }
0x42: {  	_ =	sfence.sel $0x180000  }
0x43: {  	[bflag:$0x0] =	sbarrier.arrive $0xFFFF  }
0x44: {  	p0 =	sne.s32 s2, $0x0;
	_ =	strace $0x9000004A  }
0x45: {  	s0 =	sadd.s32 @!p0 $0x100000, s0;
	[bflag:$0x2] =	sbarrier.arrive $0xFFFF  }
0x46: {  	[sflag:s0] =	ssyncadd.tile.s32 @!p0 $0x1;
	_ =	shalt  }
.Lfunc_end2:
_tile_overlayer_lowered:
.L_overlay_start_2:
0x47: {  	(tag) =	ssettag $0x2  }
0x48: {  	s0 =	rddreg [dreg:$0x0];
	s2 =	stileid.u32  }
0x49: {  	s1 =	rddreg [dreg:$0x1];
	p0 =	sne.s32 s2, $0x0  }
0x4a: {  	s3 =	rddreg [dreg:$0x2];
	[bflag:$0x3] =	sbarrier.arrive $0xFFFF;
	s2 =	simm.s32 @!p0 $0x1C02  }
0x4b: {  	[timem:s3], [sflag:s2] =	dma.local @!p0 [hbm:s0], s1  }
0x4c: {  	s0 =	simm.s32 @!p0 $0x2  }
0x4d: {  	_ =	swait.ge @!p0 [sflag:s0], s1  }
0x4e: {  	s1 =	ssub.s32 @!p0 $0x0, s1;
	[sflag:s0] =	ssyncset.done @!p0 $0x0  }
0x4f: {  	[sflag:s0] =	ssyncadd.s32 @!p0 s1  }
0x50: {  	[bflag:$0x3] =	sbarrier.arrive $0xFFFF  }
0x51: {  	_ =	shalt  }

</sc_bundles>
